<compile_context>
chip_gen: v7x
topology: tpu7x:2x2x1
jax: 0.10.2.dev20260603
libtpu: 0.0.44.dev20260713+nightly
codegen_flags: <defaults>
</compile_context>

<pallas_src>
import jax
import jax.numpy as jnp
from jax.experimental import pallas as pl
from jax.experimental.pallas import tpu as pltpu

_NMS_THRESH = 0.5
_LANES = 128
_SUBLANES = 8
_BIG = 1.0e9


_KEPT = 2.0e9
_SUPP = 3.0e9


def _nms_kernel(n_boxes, x1_ref, y1_ref, x2_ref, y2_ref, keep_ref,
                area_ref, m_ref, pos_ref):
    shape = x1_ref.shape
    rows = shape[0]
    f32 = jnp.float32

    pos0 = (jax.lax.broadcasted_iota(jnp.int32, shape, 0) * _LANES
            + jax.lax.broadcasted_iota(jnp.int32, shape, 1)).astype(f32)
    pos_ref[...] = pos0
    valid = pos0 < f32(n_boxes)
    area_ref[...] = (x2_ref[...] - x1_ref[...]) * (y2_ref[...] - y1_ref[...])
    m_ref[...] = jnp.where(valid, pos0, f32(_SUPP))

    lane_iota = jax.lax.broadcasted_iota(
        jnp.int32, (1, _LANES), 1).astype(f32)

    def pick(p):
        rf = jnp.floor(p * (1.0 / _LANES))
        r = jnp.minimum(rf.astype(jnp.int32), rows - 1)
        cf = p - rf * _LANES
        onehot = jnp.where(lane_iota == cf, f32(1.0), f32(0.0))
        return (jnp.sum(x1_ref[pl.ds(r, 1), :] * onehot),
                jnp.sum(y1_ref[pl.ds(r, 1), :] * onehot),
                jnp.sum(x2_ref[pl.ds(r, 1), :] * onehot),
                jnp.sum(y2_ref[pl.ds(r, 1), :] * onehot),
                jnp.sum(area_ref[pl.ds(r, 1), :] * onehot))

    def iou_terms(x1i, y1i, x2i, y2i, ai, x1, y1, x2, y2, area):
        xx1 = jnp.maximum(x1i, x1)
        yy1 = jnp.maximum(y1i, y1)
        xx2 = jnp.minimum(x2i, x2)
        yy2 = jnp.minimum(y2i, y2)
        w = jnp.maximum(f32(1e-10), xx2 - xx1)
        h = jnp.maximum(f32(1e-10), yy2 - yy1)
        inter = w * h
        return inter / (ai + area - inter + f32(1e-14))

    ones_row = jnp.ones((1, _LANES), f32)

    def cond(p1):
        return p1 < _BIG * 0.5

    def splat_iou(bi, bj):
        return iou_terms(*bi, ones_row * bj[0], ones_row * bj[1],
                         ones_row * bj[2], ones_row * bj[3],
                         ones_row * bj[4])

    def body(p1):
        m_cur = m_ref[...]
        m2 = jnp.where(m_cur == p1, f32(_SUPP), m_cur)
        p2 = jnp.min(m2)
        m3 = jnp.where(m2 == p2, f32(_SUPP), m2)
        p3 = jnp.min(m3)
        p4 = jnp.min(jnp.where(m3 == p3, f32(_SUPP), m3))
        b1 = pick(p1)
        b2 = pick(p2)
        b3 = pick(p3)
        b4 = pick(p4)

        nsup = lambda i, j: jnp.logical_not(splat_iou(i, j) > _NMS_THRESH)
        a2 = (p2 < _BIG * 0.5) & nsup(b1, b2)
        a3 = ((p3 < _BIG * 0.5) & nsup(b1, b3)
              & jnp.logical_not(a2 & (splat_iou(b2, b3) > _NMS_THRESH)))
        a4 = ((p4 < _BIG * 0.5) & nsup(b1, b4)
              & jnp.logical_not(a2 & (splat_iou(b2, b4) > _NMS_THRESH))
              & jnp.logical_not(a3 & (splat_iou(b3, b4) > _NMS_THRESH)))

        x1 = x1_ref[...]
        y1 = y1_ref[...]
        x2 = x2_ref[...]
        y2 = y2_ref[...]
        area = area_ref[...]
        pos = pos_ref[...]

        iou1 = iou_terms(*b1, x1, y1, x2, y2, area)
        iou2 = iou_terms(*b2, x1, y1, x2, y2, area)
        iou3 = iou_terms(*b3, x1, y1, x2, y2, area)
        iou4 = iou_terms(*b4, x1, y1, x2, y2, area)
        sup = ((iou1 > _NMS_THRESH) & (pos > p1)
               | (iou2 > _NMS_THRESH) & (pos > p2) & a2
               | (iou3 > _NMS_THRESH) & (pos > p3) & a3
               | (iou4 > _NMS_THRESH) & (pos > p4) & a4)
        picked = ((pos == p1) | ((pos == p2) & a2)
                  | ((pos == p3) & a3) | ((pos == p4) & a4))
        m = jnp.where(sup, f32(_SUPP),
                      jnp.where(picked, f32(_KEPT), m_cur))
        m_ref[...] = m
        return jnp.min(m)

    jax.lax.while_loop(cond, body, jnp.min(m_ref[...]))
    keep_ref[...] = jnp.where(m_ref[...] == f32(_KEPT), f32(1.0), f32(0.0))


def kernel(boxes, scores):
    n = boxes.shape[0]
    pad_n = ((n + _LANES * _SUBLANES - 1)
             // (_LANES * _SUBLANES)) * (_LANES * _SUBLANES)
    rows = pad_n // _LANES

    xy1 = boxes[:, :2] - boxes[:, 2:] * 0.5
    xy2 = boxes[:, :2] + boxes[:, 2:] * 0.5
    boxes_xyxy = jnp.concatenate([xy1, xy2], axis=-1)

    order = jnp.argsort(-scores)
    b = boxes_xyxy[order]
    planes = [
        jnp.pad(b[:, k], (0, pad_n - n)).reshape(rows, _LANES)
        for k in range(4)
    ]

    keep_sorted = pl.pallas_call(
        lambda *refs: _nms_kernel(n, *refs),
        out_shape=jax.ShapeDtypeStruct((rows, _LANES), jnp.float32),
        scratch_shapes=[
            pltpu.VMEM((rows, _LANES), jnp.float32),
            pltpu.VMEM((rows, _LANES), jnp.float32),
            pltpu.VMEM((rows, _LANES), jnp.float32),
        ],
    )(*planes)

    keep_s = keep_sorted.reshape(-1)[:n]
    keep = jnp.zeros((n,), boxes.dtype).at[order].set(keep_s)
    out = jnp.concatenate(
        [boxes_xyxy * keep[:, None], (scores * keep)[:, None]], axis=-1)
    return out

# --- scband reference (transcript-rebuilt; emitter-appended) ---
"""Pipeline reference for scband-yolov3-25314537243282 (READ-ONLY COPY).

The authoritative reference and input builder live on the scoring server;
editing this copy changes nothing except your own understanding.
"""

import jax, jax.numpy as jnp
import numpy as np

NMS_THRESH = 0.5
N_BOXES = 20000


def _nms_keep(boxes_xyxy, scores, thresh):
    # Faithful JAX translation of YOLOv3.nms greedy suppression loop.
    n = scores.shape[0]
    order = jnp.argsort(-scores)  # descending score order, mirrors argsort()[::-1]
    b = boxes_xyxy[order]
    x1 = b[:, 0]
    y1 = b[:, 1]
    x2 = b[:, 2]
    y2 = b[:, 3]
    areas = (x2 - x1) * (y2 - y1)
    idx = jnp.arange(n)

    def body(i, keep):
        xx1 = jnp.maximum(x1[i], x1)
        yy1 = jnp.maximum(y1[i], y1)
        xx2 = jnp.minimum(x2[i], x2)
        yy2 = jnp.minimum(y2[i], y2)
        w = jnp.maximum(1e-10, xx2 - xx1)
        h = jnp.maximum(1e-10, yy2 - yy1)
        inter = w * h
        iou = inter / (areas[i] + areas - inter + 1e-14)
        # box i only suppresses later-ordered boxes, and only if i itself survives
        suppress = keep[i] & (iou > thresh) & (idx > i)
        return keep & (~suppress)

    keep_sorted = jax.lax.fori_loop(0, n, body, jnp.ones((n,), dtype=bool))
    # map keep decisions back to original box order
    keep = jnp.zeros((n,), dtype=bool).at[order].set(keep_sorted)
    return keep


def setup_inputs(seed: int = 0) -> dict:
    key = jax.random.key(seed)
    k1, k2 = jax.random.split(key, 2)
    boxes = jax.random.uniform(k1, (N_BOXES, 4), dtype=jnp.float32)  # cxcywh
    scores = jax.random.uniform(k2, (N_BOXES,), dtype=jnp.float32)
    return {"boxes": boxes, "scores": scores}


def reference(boxes, scores):
    # cxcywh -> x1y1x2y2, same as the numpy preamble in YOLOv3.nms
    xy1 = boxes[:, :2] - boxes[:, 2:] * 0.5
    xy2 = boxes[:, :2] + boxes[:, 2:] * 0.5
    boxes_xyxy = jnp.concatenate([xy1, xy2], axis=-1)
    keep = jax.lax.stop_gradient(_nms_keep(boxes_xyxy, scores, NMS_THRESH))
    kf = keep.astype(boxes.dtype)
    # static-shape output: suppressed entries zeroed; last column is kept score
    out = jnp.concatenate([boxes_xyxy * kf[:, None], (scores * kf)[:, None]], axis=-1)
    return out

if __name__ == "__main__":
    import jax
    _d = setup_inputs()
    print(jax.jit(kernel)(*tuple(_d.values())))

</pallas_src>

<mosaic_0001>
module attributes {stable_mosaic.version = 14 : i64} {
  func.func @_lambda_(%arg0: memref<160x128xf32, #tpu.memory_space<vmem>>, %arg1: memref<160x128xf32, #tpu.memory_space<vmem>>, %arg2: memref<160x128xf32, #tpu.memory_space<vmem>>, %arg3: memref<160x128xf32, #tpu.memory_space<vmem>>, %arg4: memref<160x128xf32, #tpu.memory_space<vmem>>, %arg5: memref<160x128xf32, #tpu.memory_space<vmem>>, %arg6: memref<160x128xf32, #tpu.memory_space<vmem>>, %arg7: memref<160x128xf32, #tpu.memory_space<vmem>>) attributes {dimension_semantics = [], scalar_prefetch = 0 : i64, scratch_operands = 3 : i64, tpu.core_type = #tpu.core_type<tc>} {
    %iota3A = tpu.iota {dimensions = array<i32: 0>} : vector<160x128xi32>
    %mul3A = arith.constant 128 : i32
    %mul3A_0 = vector.broadcast %mul3A : i32 to vector<160x128xi32>
    %mul3A_1 = arith.muli %iota3A, %mul3A_0 : vector<160x128xi32>
    %iota3A_2 = tpu.iota {dimensions = array<i32: 1>} : vector<160x128xi32>
    %add3A = arith.addi %mul3A_1, %iota3A_2 : vector<160x128xi32>
    %convert_element_type3A = arith.sitofp %add3A : vector<160x128xi32> to vector<160x128xf32>
    %swap3A = arith.constant 0 : index
    %swap3A_3 = arith.constant 0 : index
    %swap3A_4 = vector.load %arg7[%swap3A, %swap3A_3] : memref<160x128xf32, #tpu.memory_space<vmem>>, vector<160x128xf32>
    tpu.vector_store %arg7[%swap3A, %swap3A_3], %convert_element_type3A {strides = array<i32>} : memref<160x128xf32, #tpu.memory_space<vmem>>, vector<160x128xf32>,
    %lt3A = arith.constant 2.000000e+04 : f32
    %lt3A_5 = vector.broadcast %lt3A : f32 to vector<160x128xf32>
    %lt3A_6 = arith.cmpf olt, %convert_element_type3A, %lt3A_5 : vector<160x128xf32>
    %get3A = arith.constant 0 : index
    %get3A_7 = arith.constant 0 : index
    %get3A_8 = vector.load %arg2[%get3A, %get3A_7] : memref<160x128xf32, #tpu.memory_space<vmem>>, vector<160x128xf32>
    %get3A_9 = arith.constant 0 : index
    %get3A_10 = arith.constant 0 : index
    %get3A_11 = vector.load %arg0[%get3A_9, %get3A_10] : memref<160x128xf32, #tpu.memory_space<vmem>>, vector<160x128xf32>
    %sub3A = arith.subf %get3A_8, %get3A_11 : vector<160x128xf32>
    %get3A_12 = arith.constant 0 : index
    %get3A_13 = arith.constant 0 : index
    %get3A_14 = vector.load %arg3[%get3A_12, %get3A_13] : memref<160x128xf32, #tpu.memory_space<vmem>>, vector<160x128xf32>
    %get3A_15 = arith.constant 0 : index
    %get3A_16 = arith.constant 0 : index
    %get3A_17 = vector.load %arg1[%get3A_15, %get3A_16] : memref<160x128xf32, #tpu.memory_space<vmem>>, vector<160x128xf32>
    %sub3A_18 = arith.subf %get3A_14, %get3A_17 : vector<160x128xf32>
    %mul3A_19 = arith.mulf %sub3A, %sub3A_18 : vector<160x128xf32>
    %swap3A_20 = arith.constant 0 : index
    %swap3A_21 = arith.constant 0 : index
    %swap3A_22 = vector.load %arg5[%swap3A_20, %swap3A_21] : memref<160x128xf32, #tpu.memory_space<vmem>>, vector<160x128xf32>
    tpu.vector_store %arg5[%swap3A_20, %swap3A_21], %mul3A_19 {strides = array<i32>} : memref<160x128xf32, #tpu.memory_space<vmem>>, vector<160x128xf32>,
    %jit3A = arith.constant 3.000000e+09 : f32
    %broadcast_in_dim3A = vector.broadcast %jit3A : f32 to vector<160x128xf32>
    %select_n3A = arith.select %lt3A_6, %convert_element_type3A, %broadcast_in_dim3A : vector<160x128xi1>, vector<160x128xf32>
    %swap3A_23 = arith.constant 0 : index
    %swap3A_24 = arith.constant 0 : index
    %swap3A_25 = vector.load %arg6[%swap3A_23, %swap3A_24] : memref<160x128xf32, #tpu.memory_space<vmem>>, vector<160x128xf32>
    tpu.vector_store %arg6[%swap3A_23, %swap3A_24], %select_n3A {strides = array<i32>} : memref<160x128xf32, #tpu.memory_space<vmem>>, vector<160x128xf32>,
    %iota3A_26 = tpu.iota {dimensions = array<i32: 1>} : vector<1x128xi32>
    %convert_element_type3A_27 = arith.sitofp %iota3A_26 : vector<1x128xi32> to vector<1x128xf32>
    %broadcast_in_dim3A_28 = arith.constant 1.000000e+00 : f32
    %broadcast_in_dim3A_29 = vector.broadcast %broadcast_in_dim3A_28 : f32 to vector<1x128xf32>
    %get3A_30 = arith.constant 0 : index
    %get3A_31 = arith.constant 0 : index
    %get3A_32 = vector.load %arg6[%get3A_30, %get3A_31] : memref<160x128xf32, #tpu.memory_space<vmem>>, vector<160x128xf32>
    %reduce_min3A = vector.shape_cast %get3A_32 : vector<160x128xf32> to vector<1x160x128xf32>
    %reduce_min3A_33 = arith.constant dense<0x7F800000> : vector<1xf32>
    %reduce_min3A_34 = vector.multi_reduction <minimumf>, %reduce_min3A, %reduce_min3A_33 [1, 2] : vector<1x160x128xf32> to vector<1xf32>
    %reduce_min3A_35 = vector.shape_cast %reduce_min3A_34 : vector<1xf32> to vector<1x1x1xf32>
    %reduce_min3A_36 = vector.extract %reduce_min3A_35[0, 0, 0] : f32 from vector<1x1x1xf32>
    %while3A = scf.while (%while3A_50 = %reduce_min3A_36) : (f32) -> f32 {
      %lt3A_51 = arith.constant 5.000000e+08 : f32
      %lt3A_52 = arith.cmpf olt, %while3A_50, %lt3A_51 : f32
      scf.condition(%lt3A_52) %while3A_50 : f32
    } do {
    ^bb0(%while3A_50: f32):
      %get3A_51 = arith.constant 0 : index
      %get3A_52 = arith.constant 0 : index
      %get3A_53 = vector.load %arg6[%get3A_51, %get3A_52] : memref<160x128xf32, #tpu.memory_space<vmem>>, vector<160x128xf32>
      %eq3A_54 = vector.broadcast %while3A_50 : f32 to vector<160x128xf32>
      %eq3A_55 = arith.cmpf oeq, %get3A_53, %eq3A_54 : vector<160x128xf32>
      %jit3A_56 = arith.constant 3.000000e+09 : f32
      %broadcast_in_dim3A_57 = vector.broadcast %jit3A_56 : f32 to vector<160x128xf32>
      %select_n3A_58 = arith.select %eq3A_55, %broadcast_in_dim3A_57, %get3A_53 : vector<160x128xi1>, vector<160x128xf32>
      %reduce_min3A_59 = vector.shape_cast %select_n3A_58 : vector<160x128xf32> to vector<1x160x128xf32>
      %reduce_min3A_60 = arith.constant dense<0x7F800000> : vector<1xf32>
      %reduce_min3A_61 = vector.multi_reduction <minimumf>, %reduce_min3A_59, %reduce_min3A_60 [1, 2] : vector<1x160x128xf32> to vector<1xf32>
      %reduce_min3A_62 = vector.shape_cast %reduce_min3A_61 : vector<1xf32> to vector<1x1x1xf32>
      %reduce_min3A_63 = vector.extract %reduce_min3A_62[0, 0, 0] : f32 from vector<1x1x1xf32>
      %eq3A_64 = vector.broadcast %reduce_min3A_63 : f32 to vector<160x128xf32>
      %eq3A_65 = arith.cmpf oeq, %select_n3A_58, %eq3A_64 : vector<160x128xf32>
      %jit3A_66 = arith.constant 3.000000e+09 : f32
      %broadcast_in_dim3A_67 = vector.broadcast %jit3A_66 : f32 to vector<160x128xf32>
      %select_n3A_68 = arith.select %eq3A_65, %broadcast_in_dim3A_67, %select_n3A_58 : vector<160x128xi1>, vector<160x128xf32>
      %reduce_min3A_69 = vector.shape_cast %select_n3A_68 : vector<160x128xf32> to vector<1x160x128xf32>
      %reduce_min3A_70 = arith.constant dense<0x7F800000> : vector<1xf32>
      %reduce_min3A_71 = vector.multi_reduction <minimumf>, %reduce_min3A_69, %reduce_min3A_70 [1, 2] : vector<1x160x128xf32> to vector<1xf32>
      %reduce_min3A_72 = vector.shape_cast %reduce_min3A_71 : vector<1xf32> to vector<1x1x1xf32>
      %reduce_min3A_73 = vector.extract %reduce_min3A_72[0, 0, 0] : f32 from vector<1x1x1xf32>
      %eq3A_74 = vector.broadcast %reduce_min3A_73 : f32 to vector<160x128xf32>
      %eq3A_75 = arith.cmpf oeq, %select_n3A_68, %eq3A_74 : vector<160x128xf32>
      %jit3A_76 = arith.constant 3.000000e+09 : f32
      %broadcast_in_dim3A_77 = vector.broadcast %jit3A_76 : f32 to vector<160x128xf32>
      %select_n3A_78 = arith.select %eq3A_75, %broadcast_in_dim3A_77, %select_n3A_68 : vector<160x128xi1>, vector<160x128xf32>
      %reduce_min3A_79 = vector.shape_cast %select_n3A_78 : vector<160x128xf32> to vector<1x160x128xf32>
      %reduce_min3A_80 = arith.constant dense<0x7F800000> : vector<1xf32>
      %reduce_min3A_81 = vector.multi_reduction <minimumf>, %reduce_min3A_79, %reduce_min3A_80 [1, 2] : vector<1x160x128xf32> to vector<1xf32>
      %reduce_min3A_82 = vector.shape_cast %reduce_min3A_81 : vector<1xf32> to vector<1x1x1xf32>
      %reduce_min3A_83 = vector.extract %reduce_min3A_82[0, 0, 0] : f32 from vector<1x1x1xf32>
      %mul3A_84 = arith.constant 7.812500e-03 : f32
      %mul3A_85 = arith.mulf %while3A_50, %mul3A_84 : f32
      %floor3A = math.floor %mul3A_85 : f32
      %convert_element_type3A_86 = arith.fptosi %floor3A : f32 to i32
      %min3A = arith.constant 159 : i32
      %min3A_87 = arith.minsi %convert_element_type3A_86, %min3A : i32
      %mul3A_88 = arith.constant 1.280000e+02 : f32
      %mul3A_89 = arith.mulf %floor3A, %mul3A_88 : f32
      %sub3A_90 = arith.subf %while3A_50, %mul3A_89 : f32
      %eq3A_91 = vector.broadcast %sub3A_90 : f32 to vector<1x128xf32>
      %eq3A_92 = arith.cmpf oeq, %convert_element_type3A_27, %eq3A_91 : vector<1x128xf32>
      %jit3A_93 = arith.constant 1.000000e+00 : f32
      %jit3A_94 = arith.constant 0.000000e+00 : f32
      %broadcast_in_dim3A_95 = vector.broadcast %jit3A_93 : f32 to vector<1x128xf32>
      %broadcast_in_dim3A_96 = vector.broadcast %jit3A_94 : f32 to vector<1x128xf32>
      %select_n3A_97 = arith.select %eq3A_92, %broadcast_in_dim3A_95, %broadcast_in_dim3A_96 : vector<1x128xi1>, vector<1x128xf32>
      %get3A_98 = arith.index_cast %min3A_87 : i32 to index
      %get3A_99 = arith.constant 0 : index
      %get3A_100 = vector.load %arg0[%get3A_98, %get3A_99] : memref<160x128xf32, #tpu.memory_space<vmem>>, vector<1x128xf32>
      %mul3A_101 = arith.mulf %get3A_100, %select_n3A_97 : vector<1x128xf32>
      %reduce_sum3A = vector.shape_cast %mul3A_101 : vector<1x128xf32> to vector<1x1x128xf32>
      %reduce_sum3A_102 = arith.constant dense<0.000000e+00> : vector<1xf32>
      %reduce_sum3A_103 = vector.multi_reduction <add>, %reduce_sum3A, %reduce_sum3A_102 [1, 2] : vector<1x1x128xf32> to vector<1xf32>
      %reduce_sum3A_104 = vector.shape_cast %reduce_sum3A_103 : vector<1xf32> to vector<1x1x1xf32>
      %reduce_sum3A_105 = vector.extract %reduce_sum3A_104[0, 0, 0] : f32 from vector<1x1x1xf32>
      %get3A_106 = arith.index_cast %min3A_87 : i32 to index
      %get3A_107 = arith.constant 0 : index
      %get3A_108 = vector.load %arg1[%get3A_106, %get3A_107] : memref<160x128xf32, #tpu.memory_space<vmem>>, vector<1x128xf32>
      %mul3A_109 = arith.mulf %get3A_108, %select_n3A_97 : vector<1x128xf32>
      %reduce_sum3A_110 = vector.shape_cast %mul3A_109 : vector<1x128xf32> to vector<1x1x128xf32>
      %reduce_sum3A_111 = arith.constant dense<0.000000e+00> : vector<1xf32>
      %reduce_sum3A_112 = vector.multi_reduction <add>, %reduce_sum3A_110, %reduce_sum3A_111 [1, 2] : vector<1x1x128xf32> to vector<1xf32>
      %reduce_sum3A_113 = vector.shape_cast %reduce_sum3A_112 : vector<1xf32> to vector<1x1x1xf32>
      %reduce_sum3A_114 = vector.extract %reduce_sum3A_113[0, 0, 0] : f32 from vector<1x1x1xf32>
      %get3A_115 = arith.index_cast %min3A_87 : i32 to index
      %get3A_116 = arith.constant 0 : index
      %get3A_117 = vector.load %arg2[%get3A_115, %get3A_116] : memref<160x128xf32, #tpu.memory_space<vmem>>, vector<1x128xf32>
      %mul3A_118 = arith.mulf %get3A_117, %select_n3A_97 : vector<1x128xf32>
      %reduce_sum3A_119 = vector.shape_cast %mul3A_118 : vector<1x128xf32> to vector<1x1x128xf32>
      %reduce_sum3A_120 = arith.constant dense<0.000000e+00> : vector<1xf32>
      %reduce_sum3A_121 = vector.multi_reduction <add>, %reduce_sum3A_119, %reduce_sum3A_120 [1, 2] : vector<1x1x128xf32> to vector<1xf32>
      %reduce_sum3A_122 = vector.shape_cast %reduce_sum3A_121 : vector<1xf32> to vector<1x1x1xf32>
      %reduce_sum3A_123 = vector.extract %reduce_sum3A_122[0, 0, 0] : f32 from vector<1x1x1xf32>
      %get3A_124 = arith.index_cast %min3A_87 : i32 to index
      %get3A_125 = arith.constant 0 : index
      %get3A_126 = vector.load %arg3[%get3A_124, %get3A_125] : memref<160x128xf32, #tpu.memory_space<vmem>>, vector<1x128xf32>
      %mul3A_127 = arith.mulf %get3A_126, %select_n3A_97 : vector<1x128xf32>
      %reduce_sum3A_128 = vector.shape_cast %mul3A_127 : vector<1x128xf32> to vector<1x1x128xf32>
      %reduce_sum3A_129 = arith.constant dense<0.000000e+00> : vector<1xf32>
      %reduce_sum3A_130 = vector.multi_reduction <add>, %reduce_sum3A_128, %reduce_sum3A_129 [1, 2] : vector<1x1x128xf32> to vector<1xf32>
      %reduce_sum3A_131 = vector.shape_cast %reduce_sum3A_130 : vector<1xf32> to vector<1x1x1xf32>
      %reduce_sum3A_132 = vector.extract %reduce_sum3A_131[0, 0, 0] : f32 from vector<1x1x1xf32>
      %get3A_133 = arith.index_cast %min3A_87 : i32 to index
      %get3A_134 = arith.constant 0 : index
      %get3A_135 = vector.load %arg5[%get3A_133, %get3A_134] : memref<160x128xf32, #tpu.memory_space<vmem>>, vector<1x128xf32>
      %mul3A_136 = arith.mulf %get3A_135, %select_n3A_97 : vector<1x128xf32>
      %reduce_sum3A_137 = vector.shape_cast %mul3A_136 : vector<1x128xf32> to vector<1x1x128xf32>
      %reduce_sum3A_138 = arith.constant dense<0.000000e+00> : vector<1xf32>
      %reduce_sum3A_139 = vector.multi_reduction <add>, %reduce_sum3A_137, %reduce_sum3A_138 [1, 2] : vector<1x1x128xf32> to vector<1xf32>
      %reduce_sum3A_140 = vector.shape_cast %reduce_sum3A_139 : vector<1xf32> to vector<1x1x1xf32>
      %reduce_sum3A_141 = vector.extract %reduce_sum3A_140[0, 0, 0] : f32 from vector<1x1x1xf32>
      %mul3A_142 = arith.constant 7.812500e-03 : f32
      %mul3A_143 = arith.mulf %reduce_min3A_63, %mul3A_142 : f32
      %floor3A_144 = math.floor %mul3A_143 : f32
      %convert_element_type3A_145 = arith.fptosi %floor3A_144 : f32 to i32
      %min3A_146 = arith.constant 159 : i32
      %min3A_147 = arith.minsi %convert_element_type3A_145, %min3A_146 : i32
      %mul3A_148 = arith.constant 1.280000e+02 : f32
      %mul3A_149 = arith.mulf %floor3A_144, %mul3A_148 : f32
      %sub3A_150 = arith.subf %reduce_min3A_63, %mul3A_149 : f32
      %eq3A_151 = vector.broadcast %sub3A_150 : f32 to vector<1x128xf32>
      %eq3A_152 = arith.cmpf oeq, %convert_element_type3A_27, %eq3A_151 : vector<1x128xf32>
      %jit3A_153 = arith.constant 1.000000e+00 : f32
      %jit3A_154 = arith.constant 0.000000e+00 : f32
      %broadcast_in_dim3A_155 = vector.broadcast %jit3A_153 : f32 to vector<1x128xf32>
      %broadcast_in_dim3A_156 = vector.broadcast %jit3A_154 : f32 to vector<1x128xf32>
      %select_n3A_157 = arith.select %eq3A_152, %broadcast_in_dim3A_155, %broadcast_in_dim3A_156 : vector<1x128xi1>, vector<1x128xf32>
      %get3A_158 = arith.index_cast %min3A_147 : i32 to index
      %get3A_159 = arith.constant 0 : index
      %get3A_160 = vector.load %arg0[%get3A_158, %get3A_159] : memref<160x128xf32, #tpu.memory_space<vmem>>, vector<1x128xf32>
      %mul3A_161 = arith.mulf %get3A_160, %select_n3A_157 : vector<1x128xf32>
      %reduce_sum3A_162 = vector.shape_cast %mul3A_161 : vector<1x128xf32> to vector<1x1x128xf32>
      %reduce_sum3A_163 = arith.constant dense<0.000000e+00> : vector<1xf32>
      %reduce_sum3A_164 = vector.multi_reduction <add>, %reduce_sum3A_162, %reduce_sum3A_163 [1, 2] : vector<1x1x128xf32> to vector<1xf32>
      %reduce_sum3A_165 = vector.shape_cast %reduce_sum3A_164 : vector<1xf32> to vector<1x1x1xf32>
      %reduce_sum3A_166 = vector.extract %reduce_sum3A_165[0, 0, 0] : f32 from vector<1x1x1xf32>
      %get3A_167 = arith.index_cast %min3A_147 : i32 to index
      %get3A_168 = arith.constant 0 : index
      %get3A_169 = vector.load %arg1[%get3A_167, %get3A_168] : memref<160x128xf32, #tpu.memory_space<vmem>>, vector<1x128xf32>
      %mul3A_170 = arith.mulf %get3A_169, %select_n3A_157 : vector<1x128xf32>
      %reduce_sum3A_171 = vector.shape_cast %mul3A_170 : vector<1x128xf32> to vector<1x1x128xf32>
      %reduce_sum3A_172 = arith.constant dense<0.000000e+00> : vector<1xf32>
      %reduce_sum3A_173 = vector.multi_reduction <add>, %reduce_sum3A_171, %reduce_sum3A_172 [1, 2] : vector<1x1x128xf32> to vector<1xf32>
      %reduce_sum3A_174 = vector.shape_cast %reduce_sum3A_173 : vector<1xf32> to vector<1x1x1xf32>
      %reduce_sum3A_175 = vector.extract %reduce_sum3A_174[0, 0, 0] : f32 from vector<1x1x1xf32>
      %get3A_176 = arith.index_cast %min3A_147 : i32 to index
      %get3A_177 = arith.constant 0 : index
      %get3A_178 = vector.load %arg2[%get3A_176, %get3A_177] : memref<160x128xf32, #tpu.memory_space<vmem>>, vector<1x128xf32>
      %mul3A_179 = arith.mulf %get3A_178, %select_n3A_157 : vector<1x128xf32>
      %reduce_sum3A_180 = vector.shape_cast %mul3A_179 : vector<1x128xf32> to vector<1x1x128xf32>
      %reduce_sum3A_181 = arith.constant dense<0.000000e+00> : vector<1xf32>
      %reduce_sum3A_182 = vector.multi_reduction <add>, %reduce_sum3A_180, %reduce_sum3A_181 [1, 2] : vector<1x1x128xf32> to vector<1xf32>
      %reduce_sum3A_183 = vector.shape_cast %reduce_sum3A_182 : vector<1xf32> to vector<1x1x1xf32>
      %reduce_sum3A_184 = vector.extract %reduce_sum3A_183[0, 0, 0] : f32 from vector<1x1x1xf32>
      %get3A_185 = arith.index_cast %min3A_147 : i32 to index
      %get3A_186 = arith.constant 0 : index
      %get3A_187 = vector.load %arg3[%get3A_185, %get3A_186] : memref<160x128xf32, #tpu.memory_space<vmem>>, vector<1x128xf32>
      %mul3A_188 = arith.mulf %get3A_187, %select_n3A_157 : vector<1x128xf32>
      %reduce_sum3A_189 = vector.shape_cast %mul3A_188 : vector<1x128xf32> to vector<1x1x128xf32>
      %reduce_sum3A_190 = arith.constant dense<0.000000e+00> : vector<1xf32>
      %reduce_sum3A_191 = vector.multi_reduction <add>, %reduce_sum3A_189, %reduce_sum3A_190 [1, 2] : vector<1x1x128xf32> to vector<1xf32>
      %reduce_sum3A_192 = vector.shape_cast %reduce_sum3A_191 : vector<1xf32> to vector<1x1x1xf32>
      %reduce_sum3A_193 = vector.extract %reduce_sum3A_192[0, 0, 0] : f32 from vector<1x1x1xf32>
      %get3A_194 = arith.index_cast %min3A_147 : i32 to index
      %get3A_195 = arith.constant 0 : index
      %get3A_196 = vector.load %arg5[%get3A_194, %get3A_195] : memref<160x128xf32, #tpu.memory_space<vmem>>, vector<1x128xf32>
      %mul3A_197 = arith.mulf %get3A_196, %select_n3A_157 : vector<1x128xf32>
      %reduce_sum3A_198 = vector.shape_cast %mul3A_197 : vector<1x128xf32> to vector<1x1x128xf32>
      %reduce_sum3A_199 = arith.constant dense<0.000000e+00> : vector<1xf32>
      %reduce_sum3A_200 = vector.multi_reduction <add>, %reduce_sum3A_198, %reduce_sum3A_199 [1, 2] : vector<1x1x128xf32> to vector<1xf32>
      %reduce_sum3A_201 = vector.shape_cast %reduce_sum3A_200 : vector<1xf32> to vector<1x1x1xf32>
      %reduce_sum3A_202 = vector.extract %reduce_sum3A_201[0, 0, 0] : f32 from vector<1x1x1xf32>
      %mul3A_203 = arith.constant 7.812500e-03 : f32
      %mul3A_204 = arith.mulf %reduce_min3A_73, %mul3A_203 : f32
      %floor3A_205 = math.floor %mul3A_204 : f32
      %convert_element_type3A_206 = arith.fptosi %floor3A_205 : f32 to i32
      %min3A_207 = arith.constant 159 : i32
      %min3A_208 = arith.minsi %convert_element_type3A_206, %min3A_207 : i32
      %mul3A_209 = arith.constant 1.280000e+02 : f32
      %mul3A_210 = arith.mulf %floor3A_205, %mul3A_209 : f32
      %sub3A_211 = arith.subf %reduce_min3A_73, %mul3A_210 : f32
      %eq3A_212 = vector.broadcast %sub3A_211 : f32 to vector<1x128xf32>
      %eq3A_213 = arith.cmpf oeq, %convert_element_type3A_27, %eq3A_212 : vector<1x128xf32>
      %jit3A_214 = arith.constant 1.000000e+00 : f32
      %jit3A_215 = arith.constant 0.000000e+00 : f32
      %broadcast_in_dim3A_216 = vector.broadcast %jit3A_214 : f32 to vector<1x128xf32>
      %broadcast_in_dim3A_217 = vector.broadcast %jit3A_215 : f32 to vector<1x128xf32>
      %select_n3A_218 = arith.select %eq3A_213, %broadcast_in_dim3A_216, %broadcast_in_dim3A_217 : vector<1x128xi1>, vector<1x128xf32>
      %get3A_219 = arith.index_cast %min3A_208 : i32 to index
      %get3A_220 = arith.constant 0 : index
      %get3A_221 = vector.load %arg0[%get3A_219, %get3A_220] : memref<160x128xf32, #tpu.memory_space<vmem>>, vector<1x128xf32>
      %mul3A_222 = arith.mulf %get3A_221, %select_n3A_218 : vector<1x128xf32>
      %reduce_sum3A_223 = vector.shape_cast %mul3A_222 : vector<1x128xf32> to vector<1x1x128xf32>
      %reduce_sum3A_224 = arith.constant dense<0.000000e+00> : vector<1xf32>
      %reduce_sum3A_225 = vector.multi_reduction <add>, %reduce_sum3A_223, %reduce_sum3A_224 [1, 2] : vector<1x1x128xf32> to vector<1xf32>
      %reduce_sum3A_226 = vector.shape_cast %reduce_sum3A_225 : vector<1xf32> to vector<1x1x1xf32>
      %reduce_sum3A_227 = vector.extract %reduce_sum3A_226[0, 0, 0] : f32 from vector<1x1x1xf32>
      %get3A_228 = arith.index_cast %min3A_208 : i32 to index
      %get3A_229 = arith.constant 0 : index
      %get3A_230 = vector.load %arg1[%get3A_228, %get3A_229] : memref<160x128xf32, #tpu.memory_space<vmem>>, vector<1x128xf32>
      %mul3A_231 = arith.mulf %get3A_230, %select_n3A_218 : vector<1x128xf32>
      %reduce_sum3A_232 = vector.shape_cast %mul3A_231 : vector<1x128xf32> to vector<1x1x128xf32>
      %reduce_sum3A_233 = arith.constant dense<0.000000e+00> : vector<1xf32>
      %reduce_sum3A_234 = vector.multi_reduction <add>, %reduce_sum3A_232, %reduce_sum3A_233 [1, 2] : vector<1x1x128xf32> to vector<1xf32>
      %reduce_sum3A_235 = vector.shape_cast %reduce_sum3A_234 : vector<1xf32> to vector<1x1x1xf32>
      %reduce_sum3A_236 = vector.extract %reduce_sum3A_235[0, 0, 0] : f32 from vector<1x1x1xf32>
      %get3A_237 = arith.index_cast %min3A_208 : i32 to index
      %get3A_238 = arith.constant 0 : index
      %get3A_239 = vector.load %arg2[%get3A_237, %get3A_238] : memref<160x128xf32, #tpu.memory_space<vmem>>, vector<1x128xf32>
      %mul3A_240 = arith.mulf %get3A_239, %select_n3A_218 : vector<1x128xf32>
      %reduce_sum3A_241 = vector.shape_cast %mul3A_240 : vector<1x128xf32> to vector<1x1x128xf32>
      %reduce_sum3A_242 = arith.constant dense<0.000000e+00> : vector<1xf32>
      %reduce_sum3A_243 = vector.multi_reduction <add>, %reduce_sum3A_241, %reduce_sum3A_242 [1, 2] : vector<1x1x128xf32> to vector<1xf32>
      %reduce_sum3A_244 = vector.shape_cast %reduce_sum3A_243 : vector<1xf32> to vector<1x1x1xf32>
      %reduce_sum3A_245 = vector.extract %reduce_sum3A_244[0, 0, 0] : f32 from vector<1x1x1xf32>
      %get3A_246 = arith.index_cast %min3A_208 : i32 to index
      %get3A_247 = arith.constant 0 : index
      %get3A_248 = vector.load %arg3[%get3A_246, %get3A_247] : memref<160x128xf32, #tpu.memory_space<vmem>>, vector<1x128xf32>
      %mul3A_249 = arith.mulf %get3A_248, %select_n3A_218 : vector<1x128xf32>
      %reduce_sum3A_250 = vector.shape_cast %mul3A_249 : vector<1x128xf32> to vector<1x1x128xf32>
      %reduce_sum3A_251 = arith.constant dense<0.000000e+00> : vector<1xf32>
      %reduce_sum3A_252 = vector.multi_reduction <add>, %reduce_sum3A_250, %reduce_sum3A_251 [1, 2] : vector<1x1x128xf32> to vector<1xf32>
      %reduce_sum3A_253 = vector.shape_cast %reduce_sum3A_252 : vector<1xf32> to vector<1x1x1xf32>
      %reduce_sum3A_254 = vector.extract %reduce_sum3A_253[0, 0, 0] : f32 from vector<1x1x1xf32>
      %get3A_255 = arith.index_cast %min3A_208 : i32 to index
      %get3A_256 = arith.constant 0 : index
      %get3A_257 = vector.load %arg5[%get3A_255, %get3A_256] : memref<160x128xf32, #tpu.memory_space<vmem>>, vector<1x128xf32>
      %mul3A_258 = arith.mulf %get3A_257, %select_n3A_218 : vector<1x128xf32>
      %reduce_sum3A_259 = vector.shape_cast %mul3A_258 : vector<1x128xf32> to vector<1x1x128xf32>
      %reduce_sum3A_260 = arith.constant dense<0.000000e+00> : vector<1xf32>
      %reduce_sum3A_261 = vector.multi_reduction <add>, %reduce_sum3A_259, %reduce_sum3A_260 [1, 2] : vector<1x1x128xf32> to vector<1xf32>
      %reduce_sum3A_262 = vector.shape_cast %reduce_sum3A_261 : vector<1xf32> to vector<1x1x1xf32>
      %reduce_sum3A_263 = vector.extract %reduce_sum3A_262[0, 0, 0] : f32 from vector<1x1x1xf32>
      %mul3A_264 = arith.constant 7.812500e-03 : f32
      %mul3A_265 = arith.mulf %reduce_min3A_83, %mul3A_264 : f32
      %floor3A_266 = math.floor %mul3A_265 : f32
      %convert_element_type3A_267 = arith.fptosi %floor3A_266 : f32 to i32
      %min3A_268 = arith.constant 159 : i32
      %min3A_269 = arith.minsi %convert_element_type3A_267, %min3A_268 : i32
      %mul3A_270 = arith.constant 1.280000e+02 : f32
      %mul3A_271 = arith.mulf %floor3A_266, %mul3A_270 : f32
      %sub3A_272 = arith.subf %reduce_min3A_83, %mul3A_271 : f32
      %eq3A_273 = vector.broadcast %sub3A_272 : f32 to vector<1x128xf32>
      %eq3A_274 = arith.cmpf oeq, %convert_element_type3A_27, %eq3A_273 : vector<1x128xf32>
      %jit3A_275 = arith.constant 1.000000e+00 : f32
      %jit3A_276 = arith.constant 0.000000e+00 : f32
      %broadcast_in_dim3A_277 = vector.broadcast %jit3A_275 : f32 to vector<1x128xf32>
      %broadcast_in_dim3A_278 = vector.broadcast %jit3A_276 : f32 to vector<1x128xf32>
      %select_n3A_279 = arith.select %eq3A_274, %broadcast_in_dim3A_277, %broadcast_in_dim3A_278 : vector<1x128xi1>, vector<1x128xf32>
      %get3A_280 = arith.index_cast %min3A_269 : i32 to index
      %get3A_281 = arith.constant 0 : index
      %get3A_282 = vector.load %arg0[%get3A_280, %get3A_281] : memref<160x128xf32, #tpu.memory_space<vmem>>, vector<1x128xf32>
      %mul3A_283 = arith.mulf %get3A_282, %select_n3A_279 : vector<1x128xf32>
      %reduce_sum3A_284 = vector.shape_cast %mul3A_283 : vector<1x128xf32> to vector<1x1x128xf32>
      %reduce_sum3A_285 = arith.constant dense<0.000000e+00> : vector<1xf32>
      %reduce_sum3A_286 = vector.multi_reduction <add>, %reduce_sum3A_284, %reduce_sum3A_285 [1, 2] : vector<1x1x128xf32> to vector<1xf32>
      %reduce_sum3A_287 = vector.shape_cast %reduce_sum3A_286 : vector<1xf32> to vector<1x1x1xf32>
      %reduce_sum3A_288 = vector.extract %reduce_sum3A_287[0, 0, 0] : f32 from vector<1x1x1xf32>
      %get3A_289 = arith.index_cast %min3A_269 : i32 to index
      %get3A_290 = arith.constant 0 : index
      %get3A_291 = vector.load %arg1[%get3A_289, %get3A_290] : memref<160x128xf32, #tpu.memory_space<vmem>>, vector<1x128xf32>
      %mul3A_292 = arith.mulf %get3A_291, %select_n3A_279 : vector<1x128xf32>
      %reduce_sum3A_293 = vector.shape_cast %mul3A_292 : vector<1x128xf32> to vector<1x1x128xf32>
      %reduce_sum3A_294 = arith.constant dense<0.000000e+00> : vector<1xf32>
      %reduce_sum3A_295 = vector.multi_reduction <add>, %reduce_sum3A_293, %reduce_sum3A_294 [1, 2] : vector<1x1x128xf32> to vector<1xf32>
      %reduce_sum3A_296 = vector.shape_cast %reduce_sum3A_295 : vector<1xf32> to vector<1x1x1xf32>
      %reduce_sum3A_297 = vector.extract %reduce_sum3A_296[0, 0, 0] : f32 from vector<1x1x1xf32>
      %get3A_298 = arith.index_cast %min3A_269 : i32 to index
      %get3A_299 = arith.constant 0 : index
      %get3A_300 = vector.load %arg2[%get3A_298, %get3A_299] : memref<160x128xf32, #tpu.memory_space<vmem>>, vector<1x128xf32>
      %mul3A_301 = arith.mulf %get3A_300, %select_n3A_279 : vector<1x128xf32>
      %reduce_sum3A_302 = vector.shape_cast %mul3A_301 : vector<1x128xf32> to vector<1x1x128xf32>
      %reduce_sum3A_303 = arith.constant dense<0.000000e+00> : vector<1xf32>
      %reduce_sum3A_304 = vector.multi_reduction <add>, %reduce_sum3A_302, %reduce_sum3A_303 [1, 2] : vector<1x1x128xf32> to vector<1xf32>
      %reduce_sum3A_305 = vector.shape_cast %reduce_sum3A_304 : vector<1xf32> to vector<1x1x1xf32>
      %reduce_sum3A_306 = vector.extract %reduce_sum3A_305[0, 0, 0] : f32 from vector<1x1x1xf32>
      %get3A_307 = arith.index_cast %min3A_269 : i32 to index
      %get3A_308 = arith.constant 0 : index
      %get3A_309 = vector.load %arg3[%get3A_307, %get3A_308] : memref<160x128xf32, #tpu.memory_space<vmem>>, vector<1x128xf32>
      %mul3A_310 = arith.mulf %get3A_309, %select_n3A_279 : vector<1x128xf32>
      %reduce_sum3A_311 = vector.shape_cast %mul3A_310 : vector<1x128xf32> to vector<1x1x128xf32>
      %reduce_sum3A_312 = arith.constant dense<0.000000e+00> : vector<1xf32>
      %reduce_sum3A_313 = vector.multi_reduction <add>, %reduce_sum3A_311, %reduce_sum3A_312 [1, 2] : vector<1x1x128xf32> to vector<1xf32>
      %reduce_sum3A_314 = vector.shape_cast %reduce_sum3A_313 : vector<1xf32> to vector<1x1x1xf32>
      %reduce_sum3A_315 = vector.extract %reduce_sum3A_314[0, 0, 0] : f32 from vector<1x1x1xf32>
      %get3A_316 = arith.index_cast %min3A_269 : i32 to index
      %get3A_317 = arith.constant 0 : index
      %get3A_318 = vector.load %arg5[%get3A_316, %get3A_317] : memref<160x128xf32, #tpu.memory_space<vmem>>, vector<1x128xf32>
      %mul3A_319 = arith.mulf %get3A_318, %select_n3A_279 : vector<1x128xf32>
      %reduce_sum3A_320 = vector.shape_cast %mul3A_319 : vector<1x128xf32> to vector<1x1x128xf32>
      %reduce_sum3A_321 = arith.constant dense<0.000000e+00> : vector<1xf32>
      %reduce_sum3A_322 = vector.multi_reduction <add>, %reduce_sum3A_320, %reduce_sum3A_321 [1, 2] : vector<1x1x128xf32> to vector<1xf32>
      %reduce_sum3A_323 = vector.shape_cast %reduce_sum3A_322 : vector<1xf32> to vector<1x1x1xf32>
      %reduce_sum3A_324 = vector.extract %reduce_sum3A_323[0, 0, 0] : f32 from vector<1x1x1xf32>
      %lt3A_325 = arith.constant 5.000000e+08 : f32
      %lt3A_326 = arith.cmpf olt, %reduce_min3A_63, %lt3A_325 : f32
      %mul3A_327 = vector.broadcast %reduce_sum3A_166 : f32 to vector<1x128xf32>
      %mul3A_328 = arith.mulf %broadcast_in_dim3A_29, %mul3A_327 : vector<1x128xf32>
      %mul3A_329 = vector.broadcast %reduce_sum3A_175 : f32 to vector<1x128xf32>
      %mul3A_330 = arith.mulf %broadcast_in_dim3A_29, %mul3A_329 : vector<1x128xf32>
      %mul3A_331 = vector.broadcast %reduce_sum3A_184 : f32 to vector<1x128xf32>
      %mul3A_332 = arith.mulf %broadcast_in_dim3A_29, %mul3A_331 : vector<1x128xf32>
      %mul3A_333 = vector.broadcast %reduce_sum3A_193 : f32 to vector<1x128xf32>
      %mul3A_334 = arith.mulf %broadcast_in_dim3A_29, %mul3A_333 : vector<1x128xf32>
      %mul3A_335 = vector.broadcast %reduce_sum3A_202 : f32 to vector<1x128xf32>
      %mul3A_336 = arith.mulf %broadcast_in_dim3A_29, %mul3A_335 : vector<1x128xf32>
      %max3A = vector.broadcast %reduce_sum3A_105 : f32 to vector<1x128xf32>
      %max3A_337 = arith.maximumf %max3A, %mul3A_328 : vector<1x128xf32>
      %max3A_338 = vector.broadcast %reduce_sum3A_114 : f32 to vector<1x128xf32>
      %max3A_339 = arith.maximumf %max3A_338, %mul3A_330 : vector<1x128xf32>
      %min3A_340 = vector.broadcast %reduce_sum3A_123 : f32 to vector<1x128xf32>
      %min3A_341 = arith.minimumf %min3A_340, %mul3A_332 : vector<1x128xf32>
      %min3A_342 = vector.broadcast %reduce_sum3A_132 : f32 to vector<1x128xf32>
      %min3A_343 = arith.minimumf %min3A_342, %mul3A_334 : vector<1x128xf32>
      %sub3A_344 = arith.subf %min3A_341, %max3A_337 : vector<1x128xf32>
      %max3A_345 = arith.constant 1.000000e-10 : f32
      %max3A_346 = vector.broadcast %max3A_345 : f32 to vector<1x128xf32>
      %max3A_347 = arith.maximumf %max3A_346, %sub3A_344 : vector<1x128xf32>
      %sub3A_348 = arith.subf %min3A_343, %max3A_339 : vector<1x128xf32>
      %max3A_349 = arith.constant 1.000000e-10 : f32
      %max3A_350 = vector.broadcast %max3A_349 : f32 to vector<1x128xf32>
      %max3A_351 = arith.maximumf %max3A_350, %sub3A_348 : vector<1x128xf32>
      %mul3A_352 = arith.mulf %max3A_347, %max3A_351 : vector<1x128xf32>
      %add3A_353 = vector.broadcast %reduce_sum3A_141 : f32 to vector<1x128xf32>
      %add3A_354 = arith.addf %add3A_353, %mul3A_336 : vector<1x128xf32>
      %sub3A_355 = arith.subf %add3A_354, %mul3A_352 : vector<1x128xf32>
      %add3A_356 = arith.constant 9.99999982E-15 : f32
      %add3A_357 = vector.broadcast %add3A_356 : f32 to vector<1x128xf32>
      %add3A_358 = arith.addf %sub3A_355, %add3A_357 : vector<1x128xf32>
      %div3A = arith.divf %mul3A_352, %add3A_358 : vector<1x128xf32>
      %gt3A = arith.constant 5.000000e-01 : f32
      %gt3A_359 = vector.broadcast %gt3A : f32 to vector<1x128xf32>
      %gt3A_360 = arith.cmpf ogt, %div3A, %gt3A_359 : vector<1x128xf32>
      %not3A = arith.constant dense<true> : vector<1x128xi1>
      %not3A_361 = arith.xori %gt3A_360, %not3A : vector<1x128xi1>
      %and3A = vector.broadcast %lt3A_326 : i1 to vector<1x128xi1>
      %and3A_362 = arith.andi %and3A, %not3A_361 : vector<1x128xi1>
      %lt3A_363 = arith.constant 5.000000e+08 : f32
      %lt3A_364 = arith.cmpf olt, %reduce_min3A_73, %lt3A_363 : f32
      %mul3A_365 = vector.broadcast %reduce_sum3A_227 : f32 to vector<1x128xf32>
      %mul3A_366 = arith.mulf %broadcast_in_dim3A_29, %mul3A_365 : vector<1x128xf32>
      %mul3A_367 = vector.broadcast %reduce_sum3A_236 : f32 to vector<1x128xf32>
      %mul3A_368 = arith.mulf %broadcast_in_dim3A_29, %mul3A_367 : vector<1x128xf32>
      %mul3A_369 = vector.broadcast %reduce_sum3A_245 : f32 to vector<1x128xf32>
      %mul3A_370 = arith.mulf %broadcast_in_dim3A_29, %mul3A_369 : vector<1x128xf32>
      %mul3A_371 = vector.broadcast %reduce_sum3A_254 : f32 to vector<1x128xf32>
      %mul3A_372 = arith.mulf %broadcast_in_dim3A_29, %mul3A_371 : vector<1x128xf32>
      %mul3A_373 = vector.broadcast %reduce_sum3A_263 : f32 to vector<1x128xf32>
      %mul3A_374 = arith.mulf %broadcast_in_dim3A_29, %mul3A_373 : vector<1x128xf32>
      %max3A_375 = vector.broadcast %reduce_sum3A_105 : f32 to vector<1x128xf32>
      %max3A_376 = arith.maximumf %max3A_375, %mul3A_366 : vector<1x128xf32>
      %max3A_377 = vector.broadcast %reduce_sum3A_114 : f32 to vector<1x128xf32>
      %max3A_378 = arith.maximumf %max3A_377, %mul3A_368 : vector<1x128xf32>
      %min3A_379 = vector.broadcast %reduce_sum3A_123 : f32 to vector<1x128xf32>
      %min3A_380 = arith.minimumf %min3A_379, %mul3A_370 : vector<1x128xf32>
      %min3A_381 = vector.broadcast %reduce_sum3A_132 : f32 to vector<1x128xf32>
      %min3A_382 = arith.minimumf %min3A_381, %mul3A_372 : vector<1x128xf32>
      %sub3A_383 = arith.subf %min3A_380, %max3A_376 : vector<1x128xf32>
      %max3A_384 = arith.constant 1.000000e-10 : f32
      %max3A_385 = vector.broadcast %max3A_384 : f32 to vector<1x128xf32>
      %max3A_386 = arith.maximumf %max3A_385, %sub3A_383 : vector<1x128xf32>
      %sub3A_387 = arith.subf %min3A_382, %max3A_378 : vector<1x128xf32>
      %max3A_388 = arith.constant 1.000000e-10 : f32
      %max3A_389 = vector.broadcast %max3A_388 : f32 to vector<1x128xf32>
      %max3A_390 = arith.maximumf %max3A_389, %sub3A_387 : vector<1x128xf32>
      %mul3A_391 = arith.mulf %max3A_386, %max3A_390 : vector<1x128xf32>
      %add3A_392 = vector.broadcast %reduce_sum3A_141 : f32 to vector<1x128xf32>
      %add3A_393 = arith.addf %add3A_392, %mul3A_374 : vector<1x128xf32>
      %sub3A_394 = arith.subf %add3A_393, %mul3A_391 : vector<1x128xf32>
      %add3A_395 = arith.constant 9.99999982E-15 : f32
      %add3A_396 = vector.broadcast %add3A_395 : f32 to vector<1x128xf32>
      %add3A_397 = arith.addf %sub3A_394, %add3A_396 : vector<1x128xf32>
      %div3A_398 = arith.divf %mul3A_391, %add3A_397 : vector<1x128xf32>
      %gt3A_399 = arith.constant 5.000000e-01 : f32
      %gt3A_400 = vector.broadcast %gt3A_399 : f32 to vector<1x128xf32>
      %gt3A_401 = arith.cmpf ogt, %div3A_398, %gt3A_400 : vector<1x128xf32>
      %not3A_402 = arith.constant dense<true> : vector<1x128xi1>
      %not3A_403 = arith.xori %gt3A_401, %not3A_402 : vector<1x128xi1>
      %and3A_404 = vector.broadcast %lt3A_364 : i1 to vector<1x128xi1>
      %and3A_405 = arith.andi %and3A_404, %not3A_403 : vector<1x128xi1>
      %mul3A_406 = vector.broadcast %reduce_sum3A_227 : f32 to vector<1x128xf32>
      %mul3A_407 = arith.mulf %broadcast_in_dim3A_29, %mul3A_406 : vector<1x128xf32>
      %mul3A_408 = vector.broadcast %reduce_sum3A_236 : f32 to vector<1x128xf32>
      %mul3A_409 = arith.mulf %broadcast_in_dim3A_29, %mul3A_408 : vector<1x128xf32>
      %mul3A_410 = vector.broadcast %reduce_sum3A_245 : f32 to vector<1x128xf32>
      %mul3A_411 = arith.mulf %broadcast_in_dim3A_29, %mul3A_410 : vector<1x128xf32>
      %mul3A_412 = vector.broadcast %reduce_sum3A_254 : f32 to vector<1x128xf32>
      %mul3A_413 = arith.mulf %broadcast_in_dim3A_29, %mul3A_412 : vector<1x128xf32>
      %mul3A_414 = vector.broadcast %reduce_sum3A_263 : f32 to vector<1x128xf32>
      %mul3A_415 = arith.mulf %broadcast_in_dim3A_29, %mul3A_414 : vector<1x128xf32>
      %max3A_416 = vector.broadcast %reduce_sum3A_166 : f32 to vector<1x128xf32>
      %max3A_417 = arith.maximumf %max3A_416, %mul3A_407 : vector<1x128xf32>
      %max3A_418 = vector.broadcast %reduce_sum3A_175 : f32 to vector<1x128xf32>
      %max3A_419 = arith.maximumf %max3A_418, %mul3A_409 : vector<1x128xf32>
      %min3A_420 = vector.broadcast %reduce_sum3A_184 : f32 to vector<1x128xf32>
      %min3A_421 = arith.minimumf %min3A_420, %mul3A_411 : vector<1x128xf32>
      %min3A_422 = vector.broadcast %reduce_sum3A_193 : f32 to vector<1x128xf32>
      %min3A_423 = arith.minimumf %min3A_422, %mul3A_413 : vector<1x128xf32>
      %sub3A_424 = arith.subf %min3A_421, %max3A_417 : vector<1x128xf32>
      %max3A_425 = arith.constant 1.000000e-10 : f32
      %max3A_426 = vector.broadcast %max3A_425 : f32 to vector<1x128xf32>
      %max3A_427 = arith.maximumf %max3A_426, %sub3A_424 : vector<1x128xf32>
      %sub3A_428 = arith.subf %min3A_423, %max3A_419 : vector<1x128xf32>
      %max3A_429 = arith.constant 1.000000e-10 : f32
      %max3A_430 = vector.broadcast %max3A_429 : f32 to vector<1x128xf32>
      %max3A_431 = arith.maximumf %max3A_430, %sub3A_428 : vector<1x128xf32>
      %mul3A_432 = arith.mulf %max3A_427, %max3A_431 : vector<1x128xf32>
      %add3A_433 = vector.broadcast %reduce_sum3A_202 : f32 to vector<1x128xf32>
      %add3A_434 = arith.addf %add3A_433, %mul3A_415 : vector<1x128xf32>
      %sub3A_435 = arith.subf %add3A_434, %mul3A_432 : vector<1x128xf32>
      %add3A_436 = arith.constant 9.99999982E-15 : f32
      %add3A_437 = vector.broadcast %add3A_436 : f32 to vector<1x128xf32>
      %add3A_438 = arith.addf %sub3A_435, %add3A_437 : vector<1x128xf32>
      %div3A_439 = arith.divf %mul3A_432, %add3A_438 : vector<1x128xf32>
      %gt3A_440 = arith.constant 5.000000e-01 : f32
      %gt3A_441 = vector.broadcast %gt3A_440 : f32 to vector<1x128xf32>
      %gt3A_442 = arith.cmpf ogt, %div3A_439, %gt3A_441 : vector<1x128xf32>
      %and3A_443 = arith.andi %and3A_362, %gt3A_442 : vector<1x128xi1>
      %not3A_444 = arith.constant dense<true> : vector<1x128xi1>
      %not3A_445 = arith.xori %and3A_443, %not3A_444 : vector<1x128xi1>
      %and3A_446 = arith.andi %and3A_405, %not3A_445 : vector<1x128xi1>
      %lt3A_447 = arith.constant 5.000000e+08 : f32
      %lt3A_448 = arith.cmpf olt, %reduce_min3A_83, %lt3A_447 : f32
      %mul3A_449 = vector.broadcast %reduce_sum3A_288 : f32 to vector<1x128xf32>
      %mul3A_450 = arith.mulf %broadcast_in_dim3A_29, %mul3A_449 : vector<1x128xf32>
      %mul3A_451 = vector.broadcast %reduce_sum3A_297 : f32 to vector<1x128xf32>
      %mul3A_452 = arith.mulf %broadcast_in_dim3A_29, %mul3A_451 : vector<1x128xf32>
      %mul3A_453 = vector.broadcast %reduce_sum3A_306 : f32 to vector<1x128xf32>
      %mul3A_454 = arith.mulf %broadcast_in_dim3A_29, %mul3A_453 : vector<1x128xf32>
      %mul3A_455 = vector.broadcast %reduce_sum3A_315 : f32 to vector<1x128xf32>
      %mul3A_456 = arith.mulf %broadcast_in_dim3A_29, %mul3A_455 : vector<1x128xf32>
      %mul3A_457 = vector.broadcast %reduce_sum3A_324 : f32 to vector<1x128xf32>
      %mul3A_458 = arith.mulf %broadcast_in_dim3A_29, %mul3A_457 : vector<1x128xf32>
      %max3A_459 = vector.broadcast %reduce_sum3A_105 : f32 to vector<1x128xf32>
      %max3A_460 = arith.maximumf %max3A_459, %mul3A_450 : vector<1x128xf32>
      %max3A_461 = vector.broadcast %reduce_sum3A_114 : f32 to vector<1x128xf32>
      %max3A_462 = arith.maximumf %max3A_461, %mul3A_452 : vector<1x128xf32>
      %min3A_463 = vector.broadcast %reduce_sum3A_123 : f32 to vector<1x128xf32>
      %min3A_464 = arith.minimumf %min3A_463, %mul3A_454 : vector<1x128xf32>
      %min3A_465 = vector.broadcast %reduce_sum3A_132 : f32 to vector<1x128xf32>
      %min3A_466 = arith.minimumf %min3A_465, %mul3A_456 : vector<1x128xf32>
      %sub3A_467 = arith.subf %min3A_464, %max3A_460 : vector<1x128xf32>
      %max3A_468 = arith.constant 1.000000e-10 : f32
      %max3A_469 = vector.broadcast %max3A_468 : f32 to vector<1x128xf32>
      %max3A_470 = arith.maximumf %max3A_469, %sub3A_467 : vector<1x128xf32>
      %sub3A_471 = arith.subf %min3A_466, %max3A_462 : vector<1x128xf32>
      %max3A_472 = arith.constant 1.000000e-10 : f32
      %max3A_473 = vector.broadcast %max3A_472 : f32 to vector<1x128xf32>
      %max3A_474 = arith.maximumf %max3A_473, %sub3A_471 : vector<1x128xf32>
      %mul3A_475 = arith.mulf %max3A_470, %max3A_474 : vector<1x128xf32>
      %add3A_476 = vector.broadcast %reduce_sum3A_141 : f32 to vector<1x128xf32>
      %add3A_477 = arith.addf %add3A_476, %mul3A_458 : vector<1x128xf32>
      %sub3A_478 = arith.subf %add3A_477, %mul3A_475 : vector<1x128xf32>
      %add3A_479 = arith.constant 9.99999982E-15 : f32
      %add3A_480 = vector.broadcast %add3A_479 : f32 to vector<1x128xf32>
      %add3A_481 = arith.addf %sub3A_478, %add3A_480 : vector<1x128xf32>
      %div3A_482 = arith.divf %mul3A_475, %add3A_481 : vector<1x128xf32>
      %gt3A_483 = arith.constant 5.000000e-01 : f32
      %gt3A_484 = vector.broadcast %gt3A_483 : f32 to vector<1x128xf32>
      %gt3A_485 = arith.cmpf ogt, %div3A_482, %gt3A_484 : vector<1x128xf32>
      %not3A_486 = arith.constant dense<true> : vector<1x128xi1>
      %not3A_487 = arith.xori %gt3A_485, %not3A_486 : vector<1x128xi1>
      %and3A_488 = vector.broadcast %lt3A_448 : i1 to vector<1x128xi1>
      %and3A_489 = arith.andi %and3A_488, %not3A_487 : vector<1x128xi1>
      %mul3A_490 = vector.broadcast %reduce_sum3A_288 : f32 to vector<1x128xf32>
      %mul3A_491 = arith.mulf %broadcast_in_dim3A_29, %mul3A_490 : vector<1x128xf32>
      %mul3A_492 = vector.broadcast %reduce_sum3A_297 : f32 to vector<1x128xf32>
      %mul3A_493 = arith.mulf %broadcast_in_dim3A_29, %mul3A_492 : vector<1x128xf32>
      %mul3A_494 = vector.broadcast %reduce_sum3A_306 : f32 to vector<1x128xf32>
      %mul3A_495 = arith.mulf %broadcast_in_dim3A_29, %mul3A_494 : vector<1x128xf32>
      %mul3A_496 = vector.broadcast %reduce_sum3A_315 : f32 to vector<1x128xf32>
      %mul3A_497 = arith.mulf %broadcast_in_dim3A_29, %mul3A_496 : vector<1x128xf32>
      %mul3A_498 = vector.broadcast %reduce_sum3A_324 : f32 to vector<1x128xf32>
      %mul3A_499 = arith.mulf %broadcast_in_dim3A_29, %mul3A_498 : vector<1x128xf32>
      %max3A_500 = vector.broadcast %reduce_sum3A_166 : f32 to vector<1x128xf32>
      %max3A_501 = arith.maximumf %max3A_500, %mul3A_491 : vector<1x128xf32>
      %max3A_502 = vector.broadcast %reduce_sum3A_175 : f32 to vector<1x128xf32>
      %max3A_503 = arith.maximumf %max3A_502, %mul3A_493 : vector<1x128xf32>
      %min3A_504 = vector.broadcast %reduce_sum3A_184 : f32 to vector<1x128xf32>
      %min3A_505 = arith.minimumf %min3A_504, %mul3A_495 : vector<1x128xf32>
      %min3A_506 = vector.broadcast %reduce_sum3A_193 : f32 to vector<1x128xf32>
      %min3A_507 = arith.minimumf %min3A_506, %mul3A_497 : vector<1x128xf32>
      %sub3A_508 = arith.subf %min3A_505, %max3A_501 : vector<1x128xf32>
      %max3A_509 = arith.constant 1.000000e-10 : f32
      %max3A_510 = vector.broadcast %max3A_509 : f32 to vector<1x128xf32>
      %max3A_511 = arith.maximumf %max3A_510, %sub3A_508 : vector<1x128xf32>
      %sub3A_512 = arith.subf %min3A_507, %max3A_503 : vector<1x128xf32>
      %max3A_513 = arith.constant 1.000000e-10 : f32
      %max3A_514 = vector.broadcast %max3A_513 : f32 to vector<1x128xf32>
      %max3A_515 = arith.maximumf %max3A_514, %sub3A_512 : vector<1x128xf32>
      %mul3A_516 = arith.mulf %max3A_511, %max3A_515 : vector<1x128xf32>
      %add3A_517 = vector.broadcast %reduce_sum3A_202 : f32 to vector<1x128xf32>
      %add3A_518 = arith.addf %add3A_517, %mul3A_499 : vector<1x128xf32>
      %sub3A_519 = arith.subf %add3A_518, %mul3A_516 : vector<1x128xf32>
      %add3A_520 = arith.constant 9.99999982E-15 : f32
      %add3A_521 = vector.broadcast %add3A_520 : f32 to vector<1x128xf32>
      %add3A_522 = arith.addf %sub3A_519, %add3A_521 : vector<1x128xf32>
      %div3A_523 = arith.divf %mul3A_516, %add3A_522 : vector<1x128xf32>
      %gt3A_524 = arith.constant 5.000000e-01 : f32
      %gt3A_525 = vector.broadcast %gt3A_524 : f32 to vector<1x128xf32>
      %gt3A_526 = arith.cmpf ogt, %div3A_523, %gt3A_525 : vector<1x128xf32>
      %and3A_527 = arith.andi %and3A_362, %gt3A_526 : vector<1x128xi1>
      %not3A_528 = arith.constant dense<true> : vector<1x128xi1>
      %not3A_529 = arith.xori %and3A_527, %not3A_528 : vector<1x128xi1>
      %and3A_530 = arith.andi %and3A_489, %not3A_529 : vector<1x128xi1>
      %mul3A_531 = vector.broadcast %reduce_sum3A_288 : f32 to vector<1x128xf32>
      %mul3A_532 = arith.mulf %broadcast_in_dim3A_29, %mul3A_531 : vector<1x128xf32>
      %mul3A_533 = vector.broadcast %reduce_sum3A_297 : f32 to vector<1x128xf32>
      %mul3A_534 = arith.mulf %broadcast_in_dim3A_29, %mul3A_533 : vector<1x128xf32>
      %mul3A_535 = vector.broadcast %reduce_sum3A_306 : f32 to vector<1x128xf32>
      %mul3A_536 = arith.mulf %broadcast_in_dim3A_29, %mul3A_535 : vector<1x128xf32>
      %mul3A_537 = vector.broadcast %reduce_sum3A_315 : f32 to vector<1x128xf32>
      %mul3A_538 = arith.mulf %broadcast_in_dim3A_29, %mul3A_537 : vector<1x128xf32>
      %mul3A_539 = vector.broadcast %reduce_sum3A_324 : f32 to vector<1x128xf32>
      %mul3A_540 = arith.mulf %broadcast_in_dim3A_29, %mul3A_539 : vector<1x128xf32>
      %max3A_541 = vector.broadcast %reduce_sum3A_227 : f32 to vector<1x128xf32>
      %max3A_542 = arith.maximumf %max3A_541, %mul3A_532 : vector<1x128xf32>
      %max3A_543 = vector.broadcast %reduce_sum3A_236 : f32 to vector<1x128xf32>
      %max3A_544 = arith.maximumf %max3A_543, %mul3A_534 : vector<1x128xf32>
      %min3A_545 = vector.broadcast %reduce_sum3A_245 : f32 to vector<1x128xf32>
      %min3A_546 = arith.minimumf %min3A_545, %mul3A_536 : vector<1x128xf32>
      %min3A_547 = vector.broadcast %reduce_sum3A_254 : f32 to vector<1x128xf32>
      %min3A_548 = arith.minimumf %min3A_547, %mul3A_538 : vector<1x128xf32>
      %sub3A_549 = arith.subf %min3A_546, %max3A_542 : vector<1x128xf32>
      %max3A_550 = arith.constant 1.000000e-10 : f32
      %max3A_551 = vector.broadcast %max3A_550 : f32 to vector<1x128xf32>
      %max3A_552 = arith.maximumf %max3A_551, %sub3A_549 : vector<1x128xf32>
      %sub3A_553 = arith.subf %min3A_548, %max3A_544 : vector<1x128xf32>
      %max3A_554 = arith.constant 1.000000e-10 : f32
      %max3A_555 = vector.broadcast %max3A_554 : f32 to vector<1x128xf32>
      %max3A_556 = arith.maximumf %max3A_555, %sub3A_553 : vector<1x128xf32>
      %mul3A_557 = arith.mulf %max3A_552, %max3A_556 : vector<1x128xf32>
      %add3A_558 = vector.broadcast %reduce_sum3A_263 : f32 to vector<1x128xf32>
      %add3A_559 = arith.addf %add3A_558, %mul3A_540 : vector<1x128xf32>
      %sub3A_560 = arith.subf %add3A_559, %mul3A_557 : vector<1x128xf32>
      %add3A_561 = arith.constant 9.99999982E-15 : f32
      %add3A_562 = vector.broadcast %add3A_561 : f32 to vector<1x128xf32>
      %add3A_563 = arith.addf %sub3A_560, %add3A_562 : vector<1x128xf32>
      %div3A_564 = arith.divf %mul3A_557, %add3A_563 : vector<1x128xf32>
      %gt3A_565 = arith.constant 5.000000e-01 : f32
      %gt3A_566 = vector.broadcast %gt3A_565 : f32 to vector<1x128xf32>
      %gt3A_567 = arith.cmpf ogt, %div3A_564, %gt3A_566 : vector<1x128xf32>
      %and3A_568 = arith.andi %and3A_446, %gt3A_567 : vector<1x128xi1>
      %not3A_569 = arith.constant dense<true> : vector<1x128xi1>
      %not3A_570 = arith.xori %and3A_568, %not3A_569 : vector<1x128xi1>
      %and3A_571 = arith.andi %and3A_530, %not3A_570 : vector<1x128xi1>
      %get3A_572 = arith.constant 0 : index
      %get3A_573 = arith.constant 0 : index
      %get3A_574 = vector.load %arg0[%get3A_572, %get3A_573] : memref<160x128xf32, #tpu.memory_space<vmem>>, vector<160x128xf32>
      %get3A_575 = arith.constant 0 : index
      %get3A_576 = arith.constant 0 : index
      %get3A_577 = vector.load %arg1[%get3A_575, %get3A_576] : memref<160x128xf32, #tpu.memory_space<vmem>>, vector<160x128xf32>
      %get3A_578 = arith.constant 0 : index
      %get3A_579 = arith.constant 0 : index
      %get3A_580 = vector.load %arg2[%get3A_578, %get3A_579] : memref<160x128xf32, #tpu.memory_space<vmem>>, vector<160x128xf32>
      %get3A_581 = arith.constant 0 : index
      %get3A_582 = arith.constant 0 : index
      %get3A_583 = vector.load %arg3[%get3A_581, %get3A_582] : memref<160x128xf32, #tpu.memory_space<vmem>>, vector<160x128xf32>
      %get3A_584 = arith.constant 0 : index
      %get3A_585 = arith.constant 0 : index
      %get3A_586 = vector.load %arg5[%get3A_584, %get3A_585] : memref<160x128xf32, #tpu.memory_space<vmem>>, vector<160x128xf32>
      %get3A_587 = arith.constant 0 : index
      %get3A_588 = arith.constant 0 : index
      %get3A_589 = vector.load %arg7[%get3A_587, %get3A_588] : memref<160x128xf32, #tpu.memory_space<vmem>>, vector<160x128xf32>
      %max3A_590 = vector.broadcast %reduce_sum3A_105 : f32 to vector<160x128xf32>
      %max3A_591 = arith.maximumf %max3A_590, %get3A_574 : vector<160x128xf32>
      %max3A_592 = vector.broadcast %reduce_sum3A_114 : f32 to vector<160x128xf32>
      %max3A_593 = arith.maximumf %max3A_592, %get3A_577 : vector<160x128xf32>
      %min3A_594 = vector.broadcast %reduce_sum3A_123 : f32 to vector<160x128xf32>
      %min3A_595 = arith.minimumf %min3A_594, %get3A_580 : vector<160x128xf32>
      %min3A_596 = vector.broadcast %reduce_sum3A_132 : f32 to vector<160x128xf32>
      %min3A_597 = arith.minimumf %min3A_596, %get3A_583 : vector<160x128xf32>
      %sub3A_598 = arith.subf %min3A_595, %max3A_591 : vector<160x128xf32>
      %max3A_599 = arith.constant 1.000000e-10 : f32
      %max3A_600 = vector.broadcast %max3A_599 : f32 to vector<160x128xf32>
      %max3A_601 = arith.maximumf %max3A_600, %sub3A_598 : vector<160x128xf32>
      %sub3A_602 = arith.subf %min3A_597, %max3A_593 : vector<160x128xf32>
      %max3A_603 = arith.constant 1.000000e-10 : f32
      %max3A_604 = vector.broadcast %max3A_603 : f32 to vector<160x128xf32>
      %max3A_605 = arith.maximumf %max3A_604, %sub3A_602 : vector<160x128xf32>
      %mul3A_606 = arith.mulf %max3A_601, %max3A_605 : vector<160x128xf32>
      %add3A_607 = vector.broadcast %reduce_sum3A_141 : f32 to vector<160x128xf32>
      %add3A_608 = arith.addf %add3A_607, %get3A_586 : vector<160x128xf32>
      %sub3A_609 = arith.subf %add3A_608, %mul3A_606 : vector<160x128xf32>
      %add3A_610 = arith.constant 9.99999982E-15 : f32
      %add3A_611 = vector.broadcast %add3A_610 : f32 to vector<160x128xf32>
      %add3A_612 = arith.addf %sub3A_609, %add3A_611 : vector<160x128xf32>
      %div3A_613 = arith.divf %mul3A_606, %add3A_612 : vector<160x128xf32>
      %max3A_614 = vector.broadcast %reduce_sum3A_166 : f32 to vector<160x128xf32>
      %max3A_615 = arith.maximumf %max3A_614, %get3A_574 : vector<160x128xf32>
      %max3A_616 = vector.broadcast %reduce_sum3A_175 : f32 to vector<160x128xf32>
      %max3A_617 = arith.maximumf %max3A_616, %get3A_577 : vector<160x128xf32>
      %min3A_618 = vector.broadcast %reduce_sum3A_184 : f32 to vector<160x128xf32>
      %min3A_619 = arith.minimumf %min3A_618, %get3A_580 : vector<160x128xf32>
      %min3A_620 = vector.broadcast %reduce_sum3A_193 : f32 to vector<160x128xf32>
      %min3A_621 = arith.minimumf %min3A_620, %get3A_583 : vector<160x128xf32>
      %sub3A_622 = arith.subf %min3A_619, %max3A_615 : vector<160x128xf32>
      %max3A_623 = arith.constant 1.000000e-10 : f32
      %max3A_624 = vector.broadcast %max3A_623 : f32 to vector<160x128xf32>
      %max3A_625 = arith.maximumf %max3A_624, %sub3A_622 : vector<160x128xf32>
      %sub3A_626 = arith.subf %min3A_621, %max3A_617 : vector<160x128xf32>
      %max3A_627 = arith.constant 1.000000e-10 : f32
      %max3A_628 = vector.broadcast %max3A_627 : f32 to vector<160x128xf32>
      %max3A_629 = arith.maximumf %max3A_628, %sub3A_626 : vector<160x128xf32>
      %mul3A_630 = arith.mulf %max3A_625, %max3A_629 : vector<160x128xf32>
      %add3A_631 = vector.broadcast %reduce_sum3A_202 : f32 to vector<160x128xf32>
      %add3A_632 = arith.addf %add3A_631, %get3A_586 : vector<160x128xf32>
      %sub3A_633 = arith.subf %add3A_632, %mul3A_630 : vector<160x128xf32>
      %add3A_634 = arith.constant 9.99999982E-15 : f32
      %add3A_635 = vector.broadcast %add3A_634 : f32 to vector<160x128xf32>
      %add3A_636 = arith.addf %sub3A_633, %add3A_635 : vector<160x128xf32>
      %div3A_637 = arith.divf %mul3A_630, %add3A_636 : vector<160x128xf32>
      %max3A_638 = vector.broadcast %reduce_sum3A_227 : f32 to vector<160x128xf32>
      %max3A_639 = arith.maximumf %max3A_638, %get3A_574 : vector<160x128xf32>
      %max3A_640 = vector.broadcast %reduce_sum3A_236 : f32 to vector<160x128xf32>
      %max3A_641 = arith.maximumf %max3A_640, %get3A_577 : vector<160x128xf32>
      %min3A_642 = vector.broadcast %reduce_sum3A_245 : f32 to vector<160x128xf32>
      %min3A_643 = arith.minimumf %min3A_642, %get3A_580 : vector<160x128xf32>
      %min3A_644 = vector.broadcast %reduce_sum3A_254 : f32 to vector<160x128xf32>
      %min3A_645 = arith.minimumf %min3A_644, %get3A_583 : vector<160x128xf32>
      %sub3A_646 = arith.subf %min3A_643, %max3A_639 : vector<160x128xf32>
      %max3A_647 = arith.constant 1.000000e-10 : f32
      %max3A_648 = vector.broadcast %max3A_647 : f32 to vector<160x128xf32>
      %max3A_649 = arith.maximumf %max3A_648, %sub3A_646 : vector<160x128xf32>
      %sub3A_650 = arith.subf %min3A_645, %max3A_641 : vector<160x128xf32>
      %max3A_651 = arith.constant 1.000000e-10 : f32
      %max3A_652 = vector.broadcast %max3A_651 : f32 to vector<160x128xf32>
      %max3A_653 = arith.maximumf %max3A_652, %sub3A_650 : vector<160x128xf32>
      %mul3A_654 = arith.mulf %max3A_649, %max3A_653 : vector<160x128xf32>
      %add3A_655 = vector.broadcast %reduce_sum3A_263 : f32 to vector<160x128xf32>
      %add3A_656 = arith.addf %add3A_655, %get3A_586 : vector<160x128xf32>
      %sub3A_657 = arith.subf %add3A_656, %mul3A_654 : vector<160x128xf32>
      %add3A_658 = arith.constant 9.99999982E-15 : f32
      %add3A_659 = vector.broadcast %add3A_658 : f32 to vector<160x128xf32>
      %add3A_660 = arith.addf %sub3A_657, %add3A_659 : vector<160x128xf32>
      %div3A_661 = arith.divf %mul3A_654, %add3A_660 : vector<160x128xf32>
      %max3A_662 = vector.broadcast %reduce_sum3A_288 : f32 to vector<160x128xf32>
      %max3A_663 = arith.maximumf %max3A_662, %get3A_574 : vector<160x128xf32>
      %max3A_664 = vector.broadcast %reduce_sum3A_297 : f32 to vector<160x128xf32>
      %max3A_665 = arith.maximumf %max3A_664, %get3A_577 : vector<160x128xf32>
      %min3A_666 = vector.broadcast %reduce_sum3A_306 : f32 to vector<160x128xf32>
      %min3A_667 = arith.minimumf %min3A_666, %get3A_580 : vector<160x128xf32>
      %min3A_668 = vector.broadcast %reduce_sum3A_315 : f32 to vector<160x128xf32>
      %min3A_669 = arith.minimumf %min3A_668, %get3A_583 : vector<160x128xf32>
      %sub3A_670 = arith.subf %min3A_667, %max3A_663 : vector<160x128xf32>
      %max3A_671 = arith.constant 1.000000e-10 : f32
      %max3A_672 = vector.broadcast %max3A_671 : f32 to vector<160x128xf32>
      %max3A_673 = arith.maximumf %max3A_672, %sub3A_670 : vector<160x128xf32>
      %sub3A_674 = arith.subf %min3A_669, %max3A_665 : vector<160x128xf32>
      %max3A_675 = arith.constant 1.000000e-10 : f32
      %max3A_676 = vector.broadcast %max3A_675 : f32 to vector<160x128xf32>
      %max3A_677 = arith.maximumf %max3A_676, %sub3A_674 : vector<160x128xf32>
      %mul3A_678 = arith.mulf %max3A_673, %max3A_677 : vector<160x128xf32>
      %add3A_679 = vector.broadcast %reduce_sum3A_324 : f32 to vector<160x128xf32>
      %add3A_680 = arith.addf %add3A_679, %get3A_586 : vector<160x128xf32>
      %sub3A_681 = arith.subf %add3A_680, %mul3A_678 : vector<160x128xf32>
      %add3A_682 = arith.constant 9.99999982E-15 : f32
      %add3A_683 = vector.broadcast %add3A_682 : f32 to vector<160x128xf32>
      %add3A_684 = arith.addf %sub3A_681, %add3A_683 : vector<160x128xf32>
      %div3A_685 = arith.divf %mul3A_678, %add3A_684 : vector<160x128xf32>
      %gt3A_686 = arith.constant 5.000000e-01 : f32
      %gt3A_687 = vector.broadcast %gt3A_686 : f32 to vector<160x128xf32>
      %gt3A_688 = arith.cmpf ogt, %div3A_613, %gt3A_687 : vector<160x128xf32>
      %gt3A_689 = vector.broadcast %while3A_50 : f32 to vector<160x128xf32>
      %gt3A_690 = arith.cmpf ogt, %get3A_589, %gt3A_689 : vector<160x128xf32>
      %and3A_691 = arith.andi %gt3A_688, %gt3A_690 : vector<160x128xi1>
      %gt3A_692 = arith.constant 5.000000e-01 : f32
      %gt3A_693 = vector.broadcast %gt3A_692 : f32 to vector<160x128xf32>
      %gt3A_694 = arith.cmpf ogt, %div3A_637, %gt3A_693 : vector<160x128xf32>
      %gt3A_695 = vector.broadcast %reduce_min3A_63 : f32 to vector<160x128xf32>
      %gt3A_696 = arith.cmpf ogt, %get3A_589, %gt3A_695 : vector<160x128xf32>
      %and3A_697 = arith.andi %gt3A_694, %gt3A_696 : vector<160x128xi1>
      %and3A_698 = vector.broadcast %and3A_362 : vector<1x128xi1> to vector<160x128xi1>
      %and3A_699 = arith.andi %and3A_697, %and3A_698 : vector<160x128xi1>
      %or3A = arith.ori %and3A_691, %and3A_699 : vector<160x128xi1>
      %gt3A_700 = arith.constant 5.000000e-01 : f32
      %gt3A_701 = vector.broadcast %gt3A_700 : f32 to vector<160x128xf32>
      %gt3A_702 = arith.cmpf ogt, %div3A_661, %gt3A_701 : vector<160x128xf32>
      %gt3A_703 = vector.broadcast %reduce_min3A_73 : f32 to vector<160x128xf32>
      %gt3A_704 = arith.cmpf ogt, %get3A_589, %gt3A_703 : vector<160x128xf32>
      %and3A_705 = arith.andi %gt3A_702, %gt3A_704 : vector<160x128xi1>
      %and3A_706 = vector.broadcast %and3A_446 : vector<1x128xi1> to vector<160x128xi1>
      %and3A_707 = arith.andi %and3A_705, %and3A_706 : vector<160x128xi1>
      %or3A_708 = arith.ori %or3A, %and3A_707 : vector<160x128xi1>
      %gt3A_709 = arith.constant 5.000000e-01 : f32
      %gt3A_710 = vector.broadcast %gt3A_709 : f32 to vector<160x128xf32>
      %gt3A_711 = arith.cmpf ogt, %div3A_685, %gt3A_710 : vector<160x128xf32>
      %gt3A_712 = vector.broadcast %reduce_min3A_83 : f32 to vector<160x128xf32>
      %gt3A_713 = arith.cmpf ogt, %get3A_589, %gt3A_712 : vector<160x128xf32>
      %and3A_714 = arith.andi %gt3A_711, %gt3A_713 : vector<160x128xi1>
      %and3A_715 = vector.broadcast %and3A_571 : vector<1x128xi1> to vector<160x128xi1>
      %and3A_716 = arith.andi %and3A_714, %and3A_715 : vector<160x128xi1>
      %or3A_717 = arith.ori %or3A_708, %and3A_716 : vector<160x128xi1>
      %eq3A_718 = vector.broadcast %while3A_50 : f32 to vector<160x128xf32>
      %eq3A_719 = arith.cmpf oeq, %get3A_589, %eq3A_718 : vector<160x128xf32>
      %eq3A_720 = vector.broadcast %reduce_min3A_63 : f32 to vector<160x128xf32>
      %eq3A_721 = arith.cmpf oeq, %get3A_589, %eq3A_720 : vector<160x128xf32>
      %and3A_722 = vector.broadcast %and3A_362 : vector<1x128xi1> to vector<160x128xi1>
      %and3A_723 = arith.andi %eq3A_721, %and3A_722 : vector<160x128xi1>
      %or3A_724 = arith.ori %eq3A_719, %and3A_723 : vector<160x128xi1>
      %eq3A_725 = vector.broadcast %reduce_min3A_73 : f32 to vector<160x128xf32>
      %eq3A_726 = arith.cmpf oeq, %get3A_589, %eq3A_725 : vector<160x128xf32>
      %and3A_727 = vector.broadcast %and3A_446 : vector<1x128xi1> to vector<160x128xi1>
      %and3A_728 = arith.andi %eq3A_726, %and3A_727 : vector<160x128xi1>
      %or3A_729 = arith.ori %or3A_724, %and3A_728 : vector<160x128xi1>
      %eq3A_730 = vector.broadcast %reduce_min3A_83 : f32 to vector<160x128xf32>
      %eq3A_731 = arith.cmpf oeq, %get3A_589, %eq3A_730 : vector<160x128xf32>
      %and3A_732 = vector.broadcast %and3A_571 : vector<1x128xi1> to vector<160x128xi1>
      %and3A_733 = arith.andi %eq3A_731, %and3A_732 : vector<160x128xi1>
      %or3A_734 = arith.ori %or3A_729, %and3A_733 : vector<160x128xi1>
      %jit3A_735 = arith.constant 2.000000e+09 : f32
      %broadcast_in_dim3A_736 = vector.broadcast %jit3A_735 : f32 to vector<160x128xf32>
      %select_n3A_737 = arith.select %or3A_734, %broadcast_in_dim3A_736, %get3A_53 : vector<160x128xi1>, vector<160x128xf32>
      %jit3A_738 = arith.constant 3.000000e+09 : f32
      %broadcast_in_dim3A_739 = vector.broadcast %jit3A_738 : f32 to vector<160x128xf32>
      %select_n3A_740 = arith.select %or3A_717, %broadcast_in_dim3A_739, %select_n3A_737 : vector<160x128xi1>, vector<160x128xf32>
      %swap3A_741 = arith.constant 0 : index
      %swap3A_742 = arith.constant 0 : index
      %swap3A_743 = vector.load %arg6[%swap3A_741, %swap3A_742] : memref<160x128xf32, #tpu.memory_space<vmem>>, vector<160x128xf32>
      tpu.vector_store %arg6[%swap3A_741, %swap3A_742], %select_n3A_740 {strides = array<i32>} : memref<160x128xf32, #tpu.memory_space<vmem>>, vector<160x128xf32>,
      %reduce_min3A_744 = vector.shape_cast %select_n3A_740 : vector<160x128xf32> to vector<1x160x128xf32>
      %reduce_min3A_745 = arith.constant dense<0x7F800000> : vector<1xf32>
      %reduce_min3A_746 = vector.multi_reduction <minimumf>, %reduce_min3A_744, %reduce_min3A_745 [1, 2] : vector<1x160x128xf32> to vector<1xf32>
      %reduce_min3A_747 = vector.shape_cast %reduce_min3A_746 : vector<1xf32> to vector<1x1x1xf32>
      %reduce_min3A_748 = vector.extract %reduce_min3A_747[0, 0, 0] : f32 from vector<1x1x1xf32>
      scf.yield %reduce_min3A_748 : f32
    }
    %get3A_37 = arith.constant 0 : index
    %get3A_38 = arith.constant 0 : index
    %get3A_39 = vector.load %arg6[%get3A_37, %get3A_38] : memref<160x128xf32, #tpu.memory_space<vmem>>, vector<160x128xf32>
    %eq3A = arith.constant 2.000000e+09 : f32
    %eq3A_40 = vector.broadcast %eq3A : f32 to vector<160x128xf32>
    %eq3A_41 = arith.cmpf oeq, %get3A_39, %eq3A_40 : vector<160x128xf32>
    %jit3A_42 = arith.constant 1.000000e+00 : f32
    %jit3A_43 = arith.constant 0.000000e+00 : f32
    %broadcast_in_dim3A_44 = vector.broadcast %jit3A_42 : f32 to vector<160x128xf32>
    %broadcast_in_dim3A_45 = vector.broadcast %jit3A_43 : f32 to vector<160x128xf32>
    %select_n3A_46 = arith.select %eq3A_41, %broadcast_in_dim3A_44, %broadcast_in_dim3A_45 : vector<160x128xi1>, vector<160x128xf32>
    %swap3A_47 = arith.constant 0 : index
    %swap3A_48 = arith.constant 0 : index
    %swap3A_49 = vector.load %arg4[%swap3A_47, %swap3A_48] : memref<160x128xf32, #tpu.memory_space<vmem>>, vector<160x128xf32>
    tpu.vector_store %arg4[%swap3A_47, %swap3A_48], %select_n3A_46 {strides = array<i32>} : memref<160x128xf32, #tpu.memory_space<vmem>>, vector<160x128xf32>,
    return
  }
}

</mosaic_0001>

<sc_bundles>
// kernel: gather_offload_async_start
scs
__scs_entry_jumppad:
0x0: {  	(pc) =	sbr.rel $0x88, $3  }
0x1: {  	(tag) =	ssettag $0x0;
	lr =	simm.s32 $0x1  }
0x2: {  	[smem:$0x3F9F] =	sst lr;
	_ =	strace $0xD0000000  }
0x3: {  	_ = 	snop  }
0x4: {  	_ = 	snop  }
0x5: {  	_ = 	snop  }
0x6: {  	_ = 	snop  }
0x7: {  	_ = 	snop  }
__scs_overlays_trampoline_lowered:
0x8: {  	[smem:$0x3FAE] =	sst s0  }
0x9: {  	[smem:$0x3FAF] =	sst s1  }
0xa: {  	[smem:$0x3FB0] =	sst s2  }
0xb: {  	[smem:$0x3FB1] =	sst s3  }
0xc: {  	[smem:$0x3FB2] =	sst s4  }
0xd: {  	[smem:$0x3FB3] =	sst s5  }
0xe: {  	[smem:$0x3FB4] =	sst s6  }
0xf: {  	[smem:$0x3FB5] =	sst s7  }
0x10: {  	[smem:$0x3FB6] =	sst s8  }
0x11: {  	[smem:$0x3FB7] =	sst s9;
	s0 =	simm.s32 @!p0 $0x0  }
0x12: {  	s1 =	sld [smem:$0x3F9D];
	s0 =	simm.s32 @p0 $0x1  }
0x13: {  	[smem:$0x3FB8] =	sst s0;
	s0 =	simm.s32 @!p1 $0x0  }
0x14: {  	s2 =	sld [smem:$0x3F9C];
	s0 =	simm.s32 @p1 $0x1  }
0x15: {  	[smem:$0x3FB9] =	sst s0;
	s0 =	simm.s32 @!p2 $0x0  }
0x16: {  	s3 =	sld [smem:$0x3FDB];
	s0 =	simm.s32 @p2 $0x1  }
0x17: {  	s4 =	simm.s32 $0x1BF5;
	[smem:$0x3FBB] =	sst s0  }
0x18: {  	s0 =	sld [smem:$0x3F9E];
	_ =	swait.ge [sflag:s4], $0x0  }
0x19: {  	s7 =	sld [smem:$0x3F9F]  }
0x1a: {  	s8 =	sadd.s32 $0xFFFFE003, lr  }
0x1b: {  	s9 =	sadd.s32 $0xFFFFFEF7, lr;
	s5 =	simm.s32 $0xFFFFFFFF;
	p2 =	slt.u32 s8, $0xFFFFF086  }
0x1c: {  	p1 =	slt.u32 s9, $0xF7A;
	s5 =	simm.s32 @!p2 $0x0  }
0x1d: {  	s5 =	simm.s32 @p1 $0x1;
	p0 =	seq.s32 s7, s2  }
0x1e: {  	s7 =	smul.u32 @!p0 $0xF7A, s2;
	p2 =	seq.s32 @!p0 s5, $0x0  }
0x1f: {  	s9 =	smul.u32 $0xF7A, s1;
	s8 =	simm.s32 @!p0 $0x1BF5;
	p2 =	por !p2, p0  }
0x20: {  	[sflag:s8] =	ssyncset.s32 @!p0 $0xFFFFF086;
	s6 =	sadd.s32 @!p0 s3, s7;
	s7 =	simm.s32 @!p0 $0x108  }
0x21: {  	s3 =	sadd.s32 s3, s9;
	s6 =	sadd.s32 @!p0 $0x88, s6;
	s7 =	simm.s32 @p2 $0x1082  }
0x22: {  	[simem:s7], [sflag:s8] =	dma.local @!p0 [hbm:s6], $0xF7A  }
0x23: {  	s9 =	sor.u32 $0xD0000000, s2;
	s6 =	simm.s32 $0x108;
	_ =	swait.ge @!p0 [sflag:s8], $0x0  }
0x24: {  	s3 =	sadd.s32 $0x88, s3;
	s6 =	simm.s32 @!p1 $0x1082;
	[sflag:s4] =	ssyncset.s32 $0xFFFFF086  }
0x25: {  	[simem:s6], [sflag:s4] =	dma.local [hbm:s3], $0xF7A  }
0x26: {  	[smem:$0x3F9F] =	sst s1;
	(tag) =	ssettag s2;
	_ =	strace s9  }
0x27: {  	s1 =	sld [smem:$0x3FAF]  }
0x28: {  	s2 =	sld [smem:$0x3FB0]  }
0x29: {  	s4 =	sld [smem:$0x3FB2]  }
0x2a: {  	p0 =	seq.s32 s5, $0x0;
	s5 =	sld [smem:$0x3FB3]  }
0x2b: {  	s6 =	sld [smem:$0x3FB4]  }
0x2c: {  	s7 =	sld [smem:$0x3FB5]  }
0x2d: {  	s3 =	simm.s32 $0x108;
	s8 =	sld [smem:$0x3FB6]  }
0x2e: {  	s3 =	simm.s32 @!p0 $0x1082;
	s9 =	sld [smem:$0x3FB7]  }
0x2f: {  	lr =	sadd.s32 s0, s3;
	s0 =	sld [smem:$0x3FAE]  }
0x30: {  	s3 =	sld [smem:$0x3FB1]  }
0x31: {  	[smem:$0x3FBA] =	sst s10  }
0x32: {  	s10 =	sld [smem:$0x3FB8];
	_ =	sdelay $0x3  }
0x33: {  	p0 =	seq.s32 s10, $0x1;
	s10 =	sld [smem:$0x3FBA];
	_ =	sdelay $0x3  }
0x34: {  	[smem:$0x3FBA] =	sst s10  }
0x35: {  	s10 =	sld [smem:$0x3FB9];
	_ =	sdelay $0x3  }
0x36: {  	p1 =	seq.s32 s10, $0x1;
	s10 =	sld [smem:$0x3FBA];
	_ =	sdelay $0x3  }
0x37: {  	[smem:$0x3FBA] =	sst s10  }
0x38: {  	s10 =	sld [smem:$0x3FBB]  }
0x39: {  	_ = 	snop;
	(pc) =	sbr.ind lr, $3  }
0x3a: {  	_ = 	snop  }
0x3b: {  	_ = 	snop  }
0x3c: {  	p2 =	seq.s32 s10, $0x1;
	s10 =	sld [smem:$0x3FBA]  }
0x3d: {  	_ =	shalt  }
0x3e: {  	_ =	shalt  }
0x3f: {  	_ =	shalt  }
0x40: {  	_ =	shalt  }
0x41: {  	_ =	shalt  }
0x42: {  	_ =	shalt  }
0x43: {  	_ =	shalt  }
0x44: {  	_ =	shalt  }
0x45: {  	_ =	shalt  }
0x46: {  	_ =	shalt  }
0x47: {  	_ =	shalt  }
0x48: {  	_ =	shalt  }
0x49: {  	_ =	shalt  }
0x4a: {  	_ =	shalt  }
0x4b: {  	_ =	shalt  }
0x4c: {  	_ =	shalt  }
0x4d: {  	_ =	shalt  }
0x4e: {  	_ =	shalt  }
0x4f: {  	_ =	shalt  }
0x50: {  	_ =	shalt  }
0x51: {  	_ =	shalt  }
0x52: {  	_ =	shalt  }
0x53: {  	_ =	shalt  }
0x54: {  	_ =	shalt  }
0x55: {  	_ =	shalt  }
0x56: {  	_ =	shalt  }
0x57: {  	_ =	shalt  }
0x58: {  	_ =	shalt  }
0x59: {  	_ =	shalt  }
0x5a: {  	_ =	shalt  }
0x5b: {  	_ =	shalt  }
0x5c: {  	_ =	shalt  }
0x5d: {  	_ =	shalt  }
0x5e: {  	_ =	shalt  }
0x5f: {  	_ =	shalt  }
0x60: {  	_ =	shalt  }
0x61: {  	_ =	shalt  }
0x62: {  	_ =	shalt  }
0x63: {  	_ =	shalt  }
0x64: {  	_ =	shalt  }
0x65: {  	_ =	shalt  }
0x66: {  	_ =	shalt  }
0x67: {  	_ =	shalt  }
0x68: {  	_ =	shalt  }
0x69: {  	_ =	shalt  }
0x6a: {  	_ =	shalt  }
0x6b: {  	_ =	shalt  }
0x6c: {  	_ =	shalt  }
0x6d: {  	_ =	shalt  }
0x6e: {  	_ =	shalt  }
0x6f: {  	_ =	shalt  }
0x70: {  	_ =	shalt  }
0x71: {  	_ =	shalt  }
0x72: {  	_ =	shalt  }
0x73: {  	_ =	shalt  }
0x74: {  	_ =	shalt  }
0x75: {  	_ =	shalt  }
0x76: {  	_ =	shalt  }
0x77: {  	_ =	shalt  }
0x78: {  	_ =	shalt  }
0x79: {  	_ =	shalt  }
0x7a: {  	_ =	shalt  }
0x7b: {  	_ =	shalt  }
0x7c: {  	_ =	shalt  }
0x7d: {  	_ =	shalt  }
0x7e: {  	_ =	shalt  }
0x7f: {  	_ =	shalt  }
0x80: {  	_ =	shalt  }
0x81: {  	_ =	shalt  }
0x82: {  	_ =	shalt  }
0x83: {  	_ =	shalt  }
0x84: {  	_ =	shalt  }
0x85: {  	_ =	shalt  }
0x86: {  	_ =	shalt  }
0x87: {  	_ =	shalt  }
.Lfunc_end0:
.L_simem_size_0:
called_computation_lowered:
.L_overlay_start_0:
0x88: {  	s2 =	sld [smem:$0x3FD9]  }
0x89: {  	s3 =	sld [smem:$0x3FFE];
	_ =	sdelay $0x1  }
0x8a: {  	s1 =	srdreg.scid  }
0x8b: {  	s0 =	sand.u32 $0x1, s1  }
0x8c: {  	s17 =	sshll.u32 s0, $0xA;
	s2 =	sadd.s32 s3, s2  }
0x8d: {  	s2 =	sadd.s32 s2, s17  }
0x8e: {  	[smem:$0x3FC6] =	sst s2  }
0x8f: {  	_ = 	snop  }
0x90: {  	s2 =	sld [smem:$0x3FD0];
	(tm) =	ssettm $0x1  }
0x91: {  	s18 =	sld [smem:$0x3FFB];
	_ =	sdelay $0x3  }
0x92: {  	_ =	strace s18  }
0x93: {  	s3 =	sld [smem:$0x3FFC];
	_ =	sdelay $0x3  }
0x94: {  	_ =	strace s3  }
0x95: {  	s3 =	sld [smem:$0x3FFD];
	_ =	sdelay $0x3  }
0x96: {  	_ =	strace s3  }
0x97: {  	_ =	strace $0x8FFFFFFF  }
0x98: {  	s19 =	sld [smem:$0x3FDB];
	_ =	sdelay $0x1  }
0x99: {  	s4 =	simm.s32 $_scs_section_size  }
0x9a: {  	s5 =	simm.s32 $_size__tile_overlayer_lowered;
	s6 =	simm.s32 $_tile_overlayer_lowered  }
0x9b: {  	s22 =	simm.s32 $0x1BFF;
	s21 =	sshll.u32 s6, $0x1;
	s3 =	sadd.s32 s4, s19  }
0x9c: {  	s7 =	simm.s32 $0x0;
	s20 =	sshll.u32 s5, $0x1;
	s5 =	sadd.s32 s21, s3  }
0x9d: {  	[timem:s7], [sflag:s22] =	dma.local [hbm:s5], s20  }
0x9e: {  	_ =	swait.ge [sflag:s22], s20  }
0x9f: {  	s4 =	ssub.s32 $0x0, s20;
	[sflag:s22] =	ssyncset.done $0x0  }
0xa0: {  	[sflag:s22] =	ssyncadd.s32 s4;
	_ =	sdelay $0x1  }
0xa1: {  	s23 =	simm.s32 $0x1B8B  }
0xa2: {  	_ =	swait.ge [sflag:s23], $0x1  }
0xa3: {  	[sflag:s23] =	ssyncset.done $0x0  }
0xa4: {  	s25 =	simm.s32 $0x1B8E;
	s24 =	sld [smem:$0x3FFE];
	[sflag:s23] =	ssyncadd.s32 $0xFFFFFFFF  }
0xa5: {  	s26 =	simm.s32 $execute0_lowered;
	[smem:$0x3FD2] =	sst s25  }
0xa6: {  	s5 =	sshll.u32 s26, $0x1;
	_ =	strace $0x80000046;
	[dreg:$0x1] =	wrdreg $0xFFFFFFFF  }
0xa7: {  	s28 =	simm.s32 $_size_execute0_lowered;
	s3 =	sadd.s32 s3, s5;
	[dreg:$0x0] =	wrdreg $0x0  }
0xa8: {  	s5 =	sshll.u32 s28, $0x1;
	[dreg:$0x2] =	wrdreg s3  }
0xa9: {  	[dreg:$0x3] =	wrdreg s5  }
0xaa: {  	[dreg:$0x4] =	wrdreg $0xC0  }
0xab: {  	_ =	task [dreg:s7], $0x5FFFF  }
0xac: {  	[dreg:$0x1] =	wrdreg $0xFFFFFFFF  }
0xad: {  	[dreg:$0x0] =	wrdreg $0x60  }
0xae: {  	[dreg:$0x2] =	wrdreg s24  }
0xaf: {  	[dreg:$0x3] =	wrdreg s2  }
0xb0: {  	[dreg:$0x4] =	wrdreg $0x9  }
0xb1: {  	_ =	task.clear_ibuf [dreg:s7], $0x5FFFF;
	_ =	strace $0x90000046  }
0xb2: {  	s29 =	simm.s32 $0x9;
	_ =	strace $0x80000048  }
0xb3: {  	_ =	swait.ge [sflag:s29], $0x1  }
0xb4: {  	[sflag:s29] =	ssyncadd.s32 $0xFFFFFFFF  }
0xb5: {  	_ =	strace $0x90000048  }
0xb6: {  	_ =	sfence  }
0xb7: {  	s30 =	sld [smem:$0x0];
	_ =	sdelay $0x2  }
0xb8: {  	s31 =	sshll.u32 s1, $0xD;
	s1 =	sshrl.u32 s1, $0x2  }
0xb9: {  	s3 =	sand.u32 $0x4000, s31;
	s1 =	sadd.s32 s1, s30  }
0xba: {  	s0 =	sor.u32 s3, s0;
	s1 =	sshll.u32 s1, $0x11  }
0xbb: {  	s0 =	sor.u32 s1, s0  }
0xbc: {  	s0 =	sadd.s32 $0x8F2B, s0  }
0xbd: {  	[sflag:s0] =	ssyncadd.remote.s32 $0x1  }
0xbe: {  	_ =	sfence.sel $0xFFFF  }
0xbf: {  	[dreg:$0x0] =	wrdreg $0xFFFFFFFF;
	(pc) =	sbr.abs _section_cstart, $3  }
0xc0: {  	[dreg:$0x1] =	wrdreg $0xFFFFFFFF  }
0xc1: {  	_ =	task.clear_ibuf [dreg:s7], $0x2FFFF;
	_ =	strace $0x9FFFFFFF  }
0xc2: {  	(tm) =	ssettm $0x7FFFFFFF  }
0xc3: {  	_ =	shalt  }
tec
execute0_lowered:
.L_overlay_start_1:
0x0: {  	(tag) =	ssettag $0x1  }
0x1: {  	s0 =	srdreg.scid  }
0x2: {  	s1 =	sshll.u32 s0, $0x4  }
0x3: {  	s0 =	stileid.u32;
	s1 =	sand.u32 $0x10, s1  }
0x4: {  	s2 =	sor.u32 s0, s1  }
0x5: {  	s1 =	smin.u32 s2, $0x12  }
0x6: {  	s1 =	sadd.s32 s2, s1  }
0x7: {  	p0 =	slt.u32 s2, $0x12;
	s2 =	simm.s32 $0x320;
	s1 =	smul.u32 $0x190, s1  }
0x8: {  	s2 =	simm.s32 @!p0 $0x190  }
0x9: {  	s2 =	sadd.s32 s2, s1  }
0xa: {  	s3 =	smin.u32 s2, $0x4E20  }
0xb: {  	s7 =	ssub.s32 s3, s1  }
0xc: {  	p0 =	sgt.s32 s7, $0x0  }
0xd: {  	s7 =	simm.s32 @!p0 $0x0  }
0xe: {  	s31 =	sand.u32 $0xFFF0, s7  }
0xf: {  	s2 =	sshrl.u32 s31, $0x4  }
0x10: {  	s4 =	rddreg [dreg:$0x0];
	s2 =	smul.u32 $0xA3E, s2  }
0x11: {  	s5 =	rddreg [dreg:$0x1]  }
0x12: {  	s6 =	simm.s32 $0x1;
	s10 =	simm.s32 $0x3;
	s8 =	sshrl.u32 s2, $0x10  }
0x13: {  	s13 =	simm.s32 $0x0;
	s12 =	simm.s32 $0x0;
	s9 =	smul.u32 $0x190, s8  }
.Ltmp0:
0x14: {  	s11 =	smov.u32 s1;
	s2 =	rddreg [dreg:$0x2];
	(pc) =	sbr.rel .LBB2_1-.Ltmp0, $4  }
0x15: {  	_ =	strace $0x80000047;
	p0 =	sne.s32 s7, s9;
	s9 =	simm.s32 $0x1  }
0x16: {  	[sflag:s6] =	ssyncpa.u1 $0x0;
	s7 =	simm.s32 $0x2;
	s9 =	simm.s32 @!p0 $0x0  }
0x17: {  	[sflag:s7] =	ssyncpa.u1 $0x0;
	p0 =	por $0x0, $0x0;
	s8 =	sadd.s32 s8, s9  }
0x18: {  	vm0 =	vmmov $0xff;
	vm1 =	vcmask $0x3F20;
	s9 =	sadd.s32 $0x4E200, s4;
	[sflag:s10] =	ssyncpa.u1 $0x0;
	s10 =	sadd.s32 $0x1, s8  }
.LBB2_6:
0x19: {  	[hbm:s17] =	stream.linear.scatter [tilespmem:s14], [sflag:$0x3], $0x400, $0x38;
	[tilespmem:$0x19320] =	vst v63  }
.LBB2_7:
0x1a: {  	s13 =	sadd.s32 $0x190, s11  }
0x1b: {  	s15 =	smov.u32 s1;
	p2 =	slt.s32 s13, s3  }
0x1c: {  	s15 =	smov.u32 @p2 s13;
	p2 =	sne.s32 s12, s10  }
.Ltmp1:
0x1d: {  	p1 =	slt.u32 s12, $0x2;
	(pc) =	sbr.rel @!p2 .LBB2_8-.Ltmp1, $4  }
0x1e: {  	s14 =	simm.s32 @!p1 $0x3  }
0x1f: {  	s16 =	sadd.s32 $0x1, s12;
	_ =	swait.ge @!p1 [sflag:s14], $0xC800  }
0x20: {  	p0 =	por !p0, !p0;
	s13 =	smov.u32 s11;
	[sflag:s14] =	ssyncset.done @!p1 $0x0  }
0x21: {  	s12 =	smov.u32 s16;
	s11 =	smov.u32 s15;
	[sflag:s14] =	ssyncadd.s32 @!p1 $0xFFFF3800  }
.LBB2_1:
0x22: {  	p1 =	sge.u32 s12, s8  }
0x23: {  	s14 =	sxor.u32 @!p1 $0xFFFFFFFF, s12  }
0x24: {  	s14 =	sand.u32 @!p1 $0x1, s14  }
0x25: {  	s14 =	smul.u32 @!p1 $0x640, s14  }
0x26: {  	s31 =	sadd.s32 $0xFFFFFFFF, s12;
	s15 =	sshrl.u32 @!p1 s11, $0x3  }
0x27: {  	s16 =	sand.u32 @!p1 $0x7, s11;
	s15 =	sadd.s32 @!p1 s5, s15;
	s14 =	sshrl.u32 @!p1 s14, $0x2  }
0x28: {  	[tilespmem:s14], [sflag:$0x2] =	stream.linear.gather @!p1 [hbm4b:s15+s16], $0x190, $0x38;
	[tilespmem:$0x19320] =	vst v63  }
0x29: {  	p1 =	sge.u32 s31, s8  }
.Ltmp2:
0x2a: {  	_ = 	snop;
	(pc) =	sbr.rel @p1 .LBB2_7-.Ltmp2, $1  }
0x2b: {  	_ =	sdelay $0x3  }
0x2c: {  	s14 =	simm.s32 $0x1  }
0x2d: {  	s14 =	simm.s32 @!p0 $0x0  }
0x2e: {  	s15 =	smul.u32 $0x640, s14  }
0x2f: {  	_ =	swait.ge [sflag:s7], $0x190  }
0x30: {  	[sflag:s7] =	ssyncset.done $0x0;
	s16 =	sshrl.u32 s15, $0x2  }
0x31: {  	[sflag:s7] =	ssyncadd.s32 $0xFFFFFE70;
	s15 =	sadd.s32 $0x0, s16  }
0x32: {  	v0 =	vld.msk [tilespmem:s15+$0x0 ss:$0x1], $0xffff;
	_ =	sdelay $0x4  }
0x33: {  	vm2 =	vgt.s32 v0, $0x0  }
0x34: {  	v0 =	vnsel vm2, $0x0, v0  }
0x35: {  	v0 =	vmin.u32 v0, $0x4E1F  }
0x36: {  	v0 =	vshll.u32 v0, $0x4  }
0x37: {  	s14 =	smul.u32 $0x32000, s14;
	_ =	sdelay $0x1  }
0x38: {  	s14 =	sshrl.u32 s14, $0x2  }
0x39: {  	s14 =	sor.u32 $0x320, s14  }
0x3a: {  	[tilespmem:s14], [sflag:$0x1] =	stream.indirect_vreg.gather [hbm:s4], $0x80, v0, vm0, $0x38;
	[tilespmem:$0x19320] =	vst v63  }
0x3b: {  	s17 =	sadd.s32 $0x10, s16;
	s15 =	sadd.s32 $0x400, s14  }
0x3c: {  	[tilespmem:s15], [sflag:$0x1] =	stream.indirect_vreg.gather [hbm:s4], $0x80, v0, vm1, $0x38;
	[tilespmem:$0x19320] =	vst v63  }
0x3d: {  	s18 =	simm.s32 $0x80;
	v0 =	vld.msk [tilespmem:s17+$0x0 ss:$0x1], $0xffff;
	s17 =	smov.u32 s14  }
.LBB2_3:
0x3e: {  	p1 =	sne.s32 s18, $0x600;
	_ =	sdelay $0x4  }
0x3f: {  	vm2 =	vgt.s32 v0, $0x0  }
0x40: {  	v0 =	vnsel vm2, $0x0, v0  }
0x41: {  	v0 =	vmin.u32 v0, $0x4E1F  }
0x42: {  	v0 =	vshll.u32 v0, $0x4;
	_ =	sdelay $0x3  }
.Ltmp3:
0x43: {  	s19 =	sshra.s32 s18, $0x2;
	s17 =	sadd.s32 $0x800, s17;
	(pc) =	sbr.rel @p1 .LBB2_3-.Ltmp3, $4  }
0x44: {  	[tilespmem:s17], [sflag:$0x1] =	stream.indirect_vreg.gather [hbm:s4], $0x80, v0, vm0, $0x38;
	[tilespmem:$0x19320] =	vst v63  }
0x45: {  	s19 =	sadd.s32 s19, s16;
	s20 =	sadd.s32 $0x400, s17  }
0x46: {  	[tilespmem:s20], [sflag:$0x1] =	stream.indirect_vreg.gather [hbm:s4], $0x80, v0, vm1, $0x38;
	[tilespmem:$0x19320] =	vst v63  }
0x47: {  	s18 =	sadd.s32 $0x40, s18;
	v0 =	vld.msk [tilespmem:s19+$0x0 ss:$0x1], $0xffff  }
0x48: {  	_ =	sdelay $0x3  }
0x49: {  	vm2 =	vgt.s32 v0, $0x0  }
0x4a: {  	v0 =	vnsel vm2, $0x0, v0  }
0x4b: {  	v0 =	vmin.u32 v0, $0x4E1F  }
0x4c: {  	v0 =	vshll.u32 v0, $0x4;
	_ =	sdelay $0x3  }
0x4d: {  	s16 =	sadd.s32 $0x800, s17  }
0x4e: {  	[tilespmem:s16], [sflag:$0x1] =	stream.indirect_vreg.gather [hbm:s4], $0x80, v0, vm0, $0x38;
	[tilespmem:$0x19320] =	vst v63  }
0x4f: {  	s16 =	sadd.s32 $0x400, s16  }
0x50: {  	[tilespmem:s16], [sflag:$0x1] =	stream.indirect_vreg.gather [hbm:s4], $0x80, v0, vm1, $0x38;
	[tilespmem:$0x19320] =	vst v63  }
0x51: {  	s13 =	sshll.u32 s13, $0x4;
	_ =	swait.ge [sflag:s6], $0xC800  }
0x52: {  	s13 =	sadd.s32 s13, s9;
	[sflag:s6] =	ssyncset.done $0x0  }
0x53: {  	s17 =	sadd.s32 $0x0, s13;
	s16 =	simm.s32 $0x80;
	[sflag:s6] =	ssyncadd.s32 $0xFFFF3800  }
.LBB2_5:
0x54: {  	[hbm:s17] =	stream.linear.scatter [tilespmem:s14], [sflag:$0x3], $0x400, $0x38;
	[tilespmem:$0x19320] =	vst v63  }
0x55: {  	s17 =	smov.u32 s16;
	s14 =	smov.u32 s15;
	p1 =	sne.s32 s16, $0x1880  }
.Ltmp4:
0x56: {  	s16 =	sadd.s32 $0x80, s16;
	(pc) =	sbr.rel @p1 .LBB2_5-.Ltmp4, $2  }
0x57: {  	_ =	sdelay $0x2  }
0x58: {  	s15 =	sadd.s32 $0x400, s15;
	s17 =	sadd.s32 s17, s13  }
.Ltmp5:
0x59: {  	_ = 	snop;
	(pc) =	sbr.rel .LBB2_6-.Ltmp5, $1  }
0x5a: {  	_ =	sdelay $0x3  }
.LBB2_8:
0x5b: {  	_ =	sfence.sel $0x180000  }
0x5c: {  	s1 =	simm.s32 $0x2;
	[bflag:$0x0] =	sbarrier.arrive $0xFFFF  }
0x5d: {  	s30 =	simm.s32 $0x3;
	[sflag:s1] =	ssyncpa.u1 $0x1  }
0x5e: {  	s31 =	simm.s32 $0x1;
	[sflag:s30] =	ssyncpa.u1 $0x1  }
0x5f: {  	[sflag:s31] =	ssyncpa.u1 $0x1  }
0x60: {  	p0 =	sne.s32 s0, $0x0;
	_ =	strace $0x90000047  }
0x61: {  	s0 =	sadd.s32 @!p0 $0x100000, s2;
	[bflag:$0x2] =	sbarrier.arrive $0xFFFF  }
0x62: {  	[sflag:s0] =	ssyncadd.tile.s32 @!p0 $0x1;
	_ =	shalt  }
.Lfunc_end2:
_tile_overlayer_lowered:
.L_overlay_start_2:
0x63: {  	(tag) =	ssettag $0x2  }
0x64: {  	s0 =	rddreg [dreg:$0x0];
	s2 =	stileid.u32  }
0x65: {  	s1 =	rddreg [dreg:$0x1];
	p0 =	sne.s32 s2, $0x0  }
0x66: {  	s3 =	rddreg [dreg:$0x2];
	[bflag:$0x3] =	sbarrier.arrive $0xFFFF;
	s2 =	simm.s32 @!p0 $0x1C01  }
0x67: {  	[timem:s3], [sflag:s2] =	dma.local @!p0 [hbm:s0], s1  }
0x68: {  	s0 =	simm.s32 @!p0 $0x1  }
0x69: {  	_ =	swait.ge @!p0 [sflag:s0], s1  }
0x6a: {  	s1 =	ssub.s32 @!p0 $0x0, s1;
	[sflag:s0] =	ssyncset.done @!p0 $0x0  }
0x6b: {  	[sflag:s0] =	ssyncadd.s32 @!p0 s1  }
0x6c: {  	[bflag:$0x3] =	sbarrier.arrive $0xFFFF  }
0x6d: {  	_ =	shalt  }

</sc_bundles>
